<compile_context>
chip_gen: v7x
topology: tpu7x:2x2x1
jax: 0.10.2.dev20260603
libtpu: 0.0.44.dev20260713+nightly
codegen_flags: <defaults>
</compile_context>

<pallas_src>
import functools

import jax
import jax.numpy as jnp
from jax import lax
from jax.experimental import pallas as pl
from jax.experimental.pallas import tpu as pltpu
from jax.experimental.pallas import tpu_sc as plsc

B = 16384
N_OBJ = 64
N_ACT = 8
P_SPACE = 0.1
EXIST_THR = 0.8

B_SC = 1024
B_TC = B - B_SC

NC, NS, L = 2, 16, 16
NW = NC * NS
ROWS_PER_W = B_SC // NW
NB = 16
TILES = ROWS_PER_W // NB
GROW = 256
GAT = NB * GROW



TB = 512
ROW = N_OBJ * N_OBJ


def _tc_body(x_blk, act_v, mask_v, eye_v, ap, pv):
    xb = x_blk[...]
    eqf = ((xb > EXIST_THR) == (mask_v[...] > 0)).astype(jnp.float32)
    s = lax.dot_general(eqf, eye_v[...], (((1,), (0,)), ((), ())),
                        preferred_element_type=jnp.float32)
    eqall = s > (N_OBJ - 0.5)
    a_col = xb[:, 0:1]
    b_col = xb[:, N_OBJ:N_OBJ + 1]
    p = jnp.abs(a_col - b_col)
    satf = jnp.where(eqall & (p < P_SPACE), 1.0, 0.0)
    pv[...] = p
    an = act_v[...] / (act_v[...] + 1e-20)
    ap[...] = satf * an


def _tc_run(x4, act_row, mask_4k, eye_col):
    return pl.pallas_call(
        _tc_body,
        grid=(B_TC // TB,),
        out_shape=[
            jax.ShapeDtypeStruct((B_TC, N_ACT), jnp.float32),
            jax.ShapeDtypeStruct((B_TC, 1), jnp.float32),
        ],
        in_specs=[
            pl.BlockSpec((TB, ROW), lambda t: (t, 0)),
            pl.BlockSpec((1, N_ACT), lambda t: (0, 0)),
            pl.BlockSpec((1, ROW), lambda t: (0, 0)),
            pl.BlockSpec((ROW, 1), lambda t: (0, 0)),
        ],
        out_specs=[
            pl.BlockSpec((TB, N_ACT), lambda t: (t, 0)),
            pl.BlockSpec((TB, 1), lambda t: (t, 0)),
        ],
    )(x4, act_row, mask_4k, eye_col)



def _sc_body(x_hbm, act_hbm, mask_hbm, ap_hbm, pv_hbm,
             gat_v, mask_v, mexp_v, act_v, sat_v, ap_v, pv_v, sem):
    wid = lax.axis_index("s") * NC + lax.axis_index("c")
    base_row = wid * ROWS_PER_W

    pltpu.sync_copy(mask_hbm, mask_v)
    pltpu.sync_copy(act_hbm, act_v)

    iota = lax.iota(jnp.int32, L)
    r256 = iota * GROW

    for m in range(N_OBJ // L):
        chunk = mask_v[pl.ds(m * L, L)]
        for j in range(L):
            mexp_v[pl.ds((m * L + j) * L, L)] = jnp.broadcast_to(
                chunk[j], (L,))

    act = act_v[...]
    an = act / (act + 1e-20)
    half = (iota >= 8).astype(jnp.int32)
    zero = jnp.zeros((L,), jnp.int32)

    def tile(t, carry):
        b0 = base_row + t * NB
        pltpu.sync_copy(x_hbm.at[pl.ds(b0 * GROW, GAT)], gat_v)

        a_val = plsc.load_gather(gat_v, [r256, zero])
        b_val = plsc.load_gather(gat_v, [r256 + 4, zero])
        p = jnp.abs(a_val - b_val)
        acc = p < P_SPACE
        for i in range(N_OBJ):
            rows = r256 + (65 * i) // 16
            col = jnp.full((L,), i % 16, jnp.int32)
            diag = plsc.load_gather(gat_v, [rows, col])
            m_i = mexp_v[pl.ds(i * L, L)] > 0
            acc = acc & ((diag > EXIST_THR) == m_i)
        satf = jnp.where(acc, 1.0, 0.0).astype(jnp.float32)

        pv_v[pl.ds(t * NB, NB)] = p
        sat_v[...] = satf
        for pair in range(NB // 2):
            sel = half + 2 * pair
            ap_v[pl.ds(t * NB * N_ACT + pair * L, L)] = (
                plsc.load_gather(sat_v, [sel]) * an)
        return carry

    lax.fori_loop(0, TILES, tile, 0, unroll=False)

    pltpu.sync_copy(pv_v, pv_hbm.at[pl.ds(wid * ROWS_PER_W, ROWS_PER_W)])
    pltpu.sync_copy(ap_v, ap_hbm.at[pl.ds(wid * ROWS_PER_W * N_ACT,
                                          ROWS_PER_W * N_ACT)])


def _sc_run(x2, act2, mask_i32):
    mesh = plsc.VectorSubcoreMesh(core_axis_name="c", subcore_axis_name="s")
    f = functools.partial(
        pl.kernel,
        mesh=mesh,
        compiler_params=pltpu.CompilerParams(needs_layout_passes=False,
                                             use_tc_tiling_on_sc=False),
        out_type=[
            jax.ShapeDtypeStruct((B_SC * N_ACT,), jnp.float32),
            jax.ShapeDtypeStruct((B_SC,), jnp.float32),
        ],
        scratch_types=[
            pltpu.VMEM((GAT, L), jnp.float32),
            pltpu.VMEM((N_OBJ,), jnp.int32),
            pltpu.VMEM((N_OBJ * L,), jnp.int32),
            pltpu.VMEM((L,), jnp.float32),
            pltpu.VMEM((L,), jnp.float32),
            pltpu.VMEM((ROWS_PER_W * N_ACT,), jnp.float32),
            pltpu.VMEM((ROWS_PER_W,), jnp.float32),
            pltpu.SemaphoreType.DMA,
        ],
    )(_sc_body)
    return f(x2, act2, mask_i32)


def kernel(x, action, mask):
    act2 = jnp.concatenate([action, action]).astype(jnp.float32)
    mask_i32 = mask.astype(jnp.int32)
    act_row = action.astype(jnp.float32).reshape(1, N_ACT)
    mask_4k = jnp.repeat(mask.astype(jnp.int32), N_OBJ).reshape(1, ROW)
    eye_col = jnp.eye(N_OBJ, dtype=jnp.float32).reshape(ROW, 1)

    @jax.jit
    def run(x, act2, mask_i32, act_row, mask_4k, eye_col):
        x2 = lax.slice_in_dim(x, B_TC, B, axis=0).reshape(B_SC * 256, 16)
        ap_sc, pv_sc = _sc_run(x2, act2, mask_i32)
        ap_tc, pv_tc = _tc_run(x.reshape(B, ROW), act_row, mask_4k,
                               eye_col)
        ap = jnp.concatenate([ap_tc, ap_sc.reshape(B_SC, N_ACT)], axis=0)
        pv = jnp.concatenate([pv_tc.reshape(B_TC), pv_sc])
        return ap, pv

    return run(x, act2, mask_i32, act_row, mask_4k, eye_col)

# --- scband reference (transcript-rebuilt; emitter-appended) ---
"""Pipeline reference for scband-micro-program-87557203296300 (READ-ONLY COPY).

The authoritative reference and input builder live on the scoring server;
editing this copy changes nothing except your own understanding.
"""

import jax, jax.numpy as jnp
import numpy as np

B, N_OBJ, N_PROP, N_ACT = 16384, 64, 64, 8
OBJ_A, OBJ_B = 0, 1
PROP = 0
P_SPACE = 0.1


def pred_eval(data_A, data_B, p_space):
    # predicate: |A - B| within p_space; p_values are the measured distances
    diff = jnp.abs(data_A - data_B)
    func_satisfy = diff < p_space
    return func_satisfy, diff


def setup_inputs(seed: int = 0) -> dict:
    key = jax.random.key(seed)
    k1, = jax.random.split(key, 1)
    x = jax.random.uniform(k1, (B, N_OBJ, N_PROP), dtype=jnp.float32)
    action = jnp.array([1.0, 0.0, 0.0, 0.0, 0.0, 0.0, 0.0, 0.0], dtype=jnp.float32)
    mask = jnp.zeros((N_OBJ,), dtype=bool)
    return {"x": x, "action": action, "mask": mask}


def reference(x, action, mask):
    # predicate evaluation on the selected object/property slots (gather)
    data_A = x[:, OBJ_A, PROP].reshape(-1)
    data_B = x[:, OBJ_B, PROP].reshape(-1)
    func_satisfy, p_values = pred_eval(data_A, data_B, P_SPACE)
    # existence check: state_exists[:, i] = x[:, i, i] > 0.8
    state_exists = jnp.diagonal(x, axis1=1, axis2=2) > 0.8
    mask_batches = jnp.broadcast_to(mask[None, :], (x.shape[0], N_OBJ))
    exist_res = jnp.prod((mask_batches == state_exists).astype(jnp.int32), axis=1).astype(bool)
    satisfies = func_satisfy & exist_res
    # action_probs[satisfies] += action; then normalize satisfied rows
    action_probs = jnp.zeros((x.shape[0], N_ACT), dtype=jnp.float32)
    action_probs = action_probs + jnp.where(satisfies[:, None], action[None, :], 0.0)
    action_probs = jnp.where(satisfies[:, None], action_probs / (action_probs + 1e-20), action_probs)
    return (action_probs, p_values)

if __name__ == "__main__":
    import jax
    _d = setup_inputs()
    print(jax.jit(kernel)(*tuple(_d.values())))

</pallas_src>

<mosaic_0001>
#map = affine_map<(d0, d1) -> (0, 0)>
#map1 = affine_map<(d0, d1) -> (0)>
module attributes {stable_mosaic.version = 14 : i64} {
  func.func @_sc_body(%arg0: i32, %arg1: i32, %arg2: memref<262144x16xf32, #tpu.memory_space<hbm>>, %arg3: memref<16xf32, #tpu.memory_space<hbm>>, %arg4: memref<64xi32, #tpu.memory_space<hbm>>, %arg5: memref<8192xf32, #tpu.memory_space<hbm>>, %arg6: memref<1024xf32, #tpu.memory_space<hbm>>, %arg7: memref<4096x16xf32, #tpu.memory_space<vmem>>, %arg8: memref<64xi32, #tpu.memory_space<vmem>>, %arg9: memref<1024xi32, #tpu.memory_space<vmem>>, %arg10: memref<16xf32, #tpu.memory_space<vmem>>, %arg11: memref<16xf32, #tpu.memory_space<vmem>>, %arg12: memref<256xf32, #tpu.memory_space<vmem>>, %arg13: memref<32xf32, #tpu.memory_space<vmem>>, %arg14: memref<!tpu.dma_semaphore, #tpu.memory_space<semaphore_mem>>) attributes {dimension_semantics = [#tpu.dimension_semantics<core_parallel>, #tpu.dimension_semantics<subcore_parallel>], iteration_bounds = array<i64: 2, 16>, scalar_prefetch = 0 : i64, scratch_operands = 8 : i64, tpu.core_type = #tpu.core_type<sc_vector_subcore>, window_params = [{transform_indices = #map}, {transform_indices = #map1}, {transform_indices = #map1}, {transform_indices = #map1}, {transform_indices = #map1}]} {
    %mul3A = arith.constant 2 : i32
    %mul3A_0 = arith.muli %arg1, %mul3A : i32
    %add3A = arith.addi %mul3A_0, %arg0 : i32
    %mul3A_1 = arith.constant 32 : i32
    %mul3A_2 = arith.muli %add3A, %mul3A_1 : i32
    "tpu.region"() ({
      %run_scoped3A = tpu.sem_alloc : memref<!tpu.dma_semaphore, #tpu.memory_space<semaphore_mem>>
      tpu.enqueue_dma source(%arg4 : memref<64xi32, #tpu.memory_space<hbm>>) target(%arg8 : memref<64xi32, #tpu.memory_space<vmem>>) target_semaphore(%run_scoped3A : memref<!tpu.dma_semaphore, #tpu.memory_space<semaphore_mem>>)
      tpu.wait_dma2 semaphore(%run_scoped3A : memref<!tpu.dma_semaphore, #tpu.memory_space<semaphore_mem>>) src(%arg4 : memref<64xi32, #tpu.memory_space<hbm>>) dst(%arg8 : memref<64xi32, #tpu.memory_space<vmem>>)
      tpu.yield
    }) : () -> ()
    "tpu.region"() ({
      %run_scoped3A = tpu.sem_alloc : memref<!tpu.dma_semaphore, #tpu.memory_space<semaphore_mem>>
      tpu.enqueue_dma source(%arg3 : memref<16xf32, #tpu.memory_space<hbm>>) target(%arg10 : memref<16xf32, #tpu.memory_space<vmem>>) target_semaphore(%run_scoped3A : memref<!tpu.dma_semaphore, #tpu.memory_space<semaphore_mem>>)
      tpu.wait_dma2 semaphore(%run_scoped3A : memref<!tpu.dma_semaphore, #tpu.memory_space<semaphore_mem>>) src(%arg3 : memref<16xf32, #tpu.memory_space<hbm>>) dst(%arg10 : memref<16xf32, #tpu.memory_space<vmem>>)
      tpu.yield
    }) : () -> ()
    %iota3A = tpu.iota {dimensions = array<i32: 0>} : vector<16xi32>
    %mul3A_3 = arith.constant 256 : i32
    %mul3A_4 = vector.broadcast %mul3A_3 : i32 to vector<16xi32>
    %mul3A_5 = arith.muli %iota3A, %mul3A_4 : vector<16xi32>
    %get3A = arith.constant 0 : index
    %get3A_6 = tpu.vector_load %arg8[%get3A] {strides = array<i32>} : memref<64xi32, #tpu.memory_space<vmem>>, vector<16xi32>,
    %slice3A = vector.extract_strided_slice %get3A_6 {offsets = [0], sizes = [1], strides = [1]} : vector<16xi32> to vector<1xi32>
    %squeeze3A = vector.extract %slice3A[0] : i32 from vector<1xi32>
    %broadcast_in_dim3A = vector.broadcast %squeeze3A : i32 to vector<16xi32>
    %swap3A = arith.constant 0 : index
    %swap3A_7 = tpu.vector_load %arg9[%swap3A] {strides = array<i32>} : memref<1024xi32, #tpu.memory_space<vmem>>, vector<16xi32>,
    tpu.vector_store %arg9[%swap3A], %broadcast_in_dim3A {strides = array<i32>} : memref<1024xi32, #tpu.memory_space<vmem>>, vector<16xi32>,
    %slice3A_8 = vector.extract_strided_slice %get3A_6 {offsets = [1], sizes = [1], strides = [1]} : vector<16xi32> to vector<1xi32>
    %squeeze3A_9 = vector.extract %slice3A_8[0] : i32 from vector<1xi32>
    %broadcast_in_dim3A_10 = vector.broadcast %squeeze3A_9 : i32 to vector<16xi32>
    %swap3A_11 = arith.constant 16 : index
    %swap3A_12 = tpu.vector_load %arg9[%swap3A_11] {strides = array<i32>} : memref<1024xi32, #tpu.memory_space<vmem>>, vector<16xi32>,
    tpu.vector_store %arg9[%swap3A_11], %broadcast_in_dim3A_10 {strides = array<i32>} : memref<1024xi32, #tpu.memory_space<vmem>>, vector<16xi32>,
    %slice3A_13 = vector.extract_strided_slice %get3A_6 {offsets = [2], sizes = [1], strides = [1]} : vector<16xi32> to vector<1xi32>
    %squeeze3A_14 = vector.extract %slice3A_13[0] : i32 from vector<1xi32>
    %broadcast_in_dim3A_15 = vector.broadcast %squeeze3A_14 : i32 to vector<16xi32>
    %swap3A_16 = arith.constant 32 : index
    %swap3A_17 = tpu.vector_load %arg9[%swap3A_16] {strides = array<i32>} : memref<1024xi32, #tpu.memory_space<vmem>>, vector<16xi32>,
    tpu.vector_store %arg9[%swap3A_16], %broadcast_in_dim3A_15 {strides = array<i32>} : memref<1024xi32, #tpu.memory_space<vmem>>, vector<16xi32>,
    %slice3A_18 = vector.extract_strided_slice %get3A_6 {offsets = [3], sizes = [1], strides = [1]} : vector<16xi32> to vector<1xi32>
    %squeeze3A_19 = vector.extract %slice3A_18[0] : i32 from vector<1xi32>
    %broadcast_in_dim3A_20 = vector.broadcast %squeeze3A_19 : i32 to vector<16xi32>
    %swap3A_21 = arith.constant 48 : index
    %swap3A_22 = tpu.vector_load %arg9[%swap3A_21] {strides = array<i32>} : memref<1024xi32, #tpu.memory_space<vmem>>, vector<16xi32>,
    tpu.vector_store %arg9[%swap3A_21], %broadcast_in_dim3A_20 {strides = array<i32>} : memref<1024xi32, #tpu.memory_space<vmem>>, vector<16xi32>,
    %slice3A_23 = vector.extract_strided_slice %get3A_6 {offsets = [4], sizes = [1], strides = [1]} : vector<16xi32> to vector<1xi32>
    %squeeze3A_24 = vector.extract %slice3A_23[0] : i32 from vector<1xi32>
    %broadcast_in_dim3A_25 = vector.broadcast %squeeze3A_24 : i32 to vector<16xi32>
    %swap3A_26 = arith.constant 64 : index
    %swap3A_27 = tpu.vector_load %arg9[%swap3A_26] {strides = array<i32>} : memref<1024xi32, #tpu.memory_space<vmem>>, vector<16xi32>,
    tpu.vector_store %arg9[%swap3A_26], %broadcast_in_dim3A_25 {strides = array<i32>} : memref<1024xi32, #tpu.memory_space<vmem>>, vector<16xi32>,
    %slice3A_28 = vector.extract_strided_slice %get3A_6 {offsets = [5], sizes = [1], strides = [1]} : vector<16xi32> to vector<1xi32>
    %squeeze3A_29 = vector.extract %slice3A_28[0] : i32 from vector<1xi32>
    %broadcast_in_dim3A_30 = vector.broadcast %squeeze3A_29 : i32 to vector<16xi32>
    %swap3A_31 = arith.constant 80 : index
    %swap3A_32 = tpu.vector_load %arg9[%swap3A_31] {strides = array<i32>} : memref<1024xi32, #tpu.memory_space<vmem>>, vector<16xi32>,
    tpu.vector_store %arg9[%swap3A_31], %broadcast_in_dim3A_30 {strides = array<i32>} : memref<1024xi32, #tpu.memory_space<vmem>>, vector<16xi32>,
    %slice3A_33 = vector.extract_strided_slice %get3A_6 {offsets = [6], sizes = [1], strides = [1]} : vector<16xi32> to vector<1xi32>
    %squeeze3A_34 = vector.extract %slice3A_33[0] : i32 from vector<1xi32>
    %broadcast_in_dim3A_35 = vector.broadcast %squeeze3A_34 : i32 to vector<16xi32>
    %swap3A_36 = arith.constant 96 : index
    %swap3A_37 = tpu.vector_load %arg9[%swap3A_36] {strides = array<i32>} : memref<1024xi32, #tpu.memory_space<vmem>>, vector<16xi32>,
    tpu.vector_store %arg9[%swap3A_36], %broadcast_in_dim3A_35 {strides = array<i32>} : memref<1024xi32, #tpu.memory_space<vmem>>, vector<16xi32>,
    %slice3A_38 = vector.extract_strided_slice %get3A_6 {offsets = [7], sizes = [1], strides = [1]} : vector<16xi32> to vector<1xi32>
    %squeeze3A_39 = vector.extract %slice3A_38[0] : i32 from vector<1xi32>
    %broadcast_in_dim3A_40 = vector.broadcast %squeeze3A_39 : i32 to vector<16xi32>
    %swap3A_41 = arith.constant 112 : index
    %swap3A_42 = tpu.vector_load %arg9[%swap3A_41] {strides = array<i32>} : memref<1024xi32, #tpu.memory_space<vmem>>, vector<16xi32>,
    tpu.vector_store %arg9[%swap3A_41], %broadcast_in_dim3A_40 {strides = array<i32>} : memref<1024xi32, #tpu.memory_space<vmem>>, vector<16xi32>,
    %slice3A_43 = vector.extract_strided_slice %get3A_6 {offsets = [8], sizes = [1], strides = [1]} : vector<16xi32> to vector<1xi32>
    %squeeze3A_44 = vector.extract %slice3A_43[0] : i32 from vector<1xi32>
    %broadcast_in_dim3A_45 = vector.broadcast %squeeze3A_44 : i32 to vector<16xi32>
    %swap3A_46 = arith.constant 128 : index
    %swap3A_47 = tpu.vector_load %arg9[%swap3A_46] {strides = array<i32>} : memref<1024xi32, #tpu.memory_space<vmem>>, vector<16xi32>,
    tpu.vector_store %arg9[%swap3A_46], %broadcast_in_dim3A_45 {strides = array<i32>} : memref<1024xi32, #tpu.memory_space<vmem>>, vector<16xi32>,
    %slice3A_48 = vector.extract_strided_slice %get3A_6 {offsets = [9], sizes = [1], strides = [1]} : vector<16xi32> to vector<1xi32>
    %squeeze3A_49 = vector.extract %slice3A_48[0] : i32 from vector<1xi32>
    %broadcast_in_dim3A_50 = vector.broadcast %squeeze3A_49 : i32 to vector<16xi32>
    %swap3A_51 = arith.constant 144 : index
    %swap3A_52 = tpu.vector_load %arg9[%swap3A_51] {strides = array<i32>} : memref<1024xi32, #tpu.memory_space<vmem>>, vector<16xi32>,
    tpu.vector_store %arg9[%swap3A_51], %broadcast_in_dim3A_50 {strides = array<i32>} : memref<1024xi32, #tpu.memory_space<vmem>>, vector<16xi32>,
    %slice3A_53 = vector.extract_strided_slice %get3A_6 {offsets = [10], sizes = [1], strides = [1]} : vector<16xi32> to vector<1xi32>
    %squeeze3A_54 = vector.extract %slice3A_53[0] : i32 from vector<1xi32>
    %broadcast_in_dim3A_55 = vector.broadcast %squeeze3A_54 : i32 to vector<16xi32>
    %swap3A_56 = arith.constant 160 : index
    %swap3A_57 = tpu.vector_load %arg9[%swap3A_56] {strides = array<i32>} : memref<1024xi32, #tpu.memory_space<vmem>>, vector<16xi32>,
    tpu.vector_store %arg9[%swap3A_56], %broadcast_in_dim3A_55 {strides = array<i32>} : memref<1024xi32, #tpu.memory_space<vmem>>, vector<16xi32>,
    %slice3A_58 = vector.extract_strided_slice %get3A_6 {offsets = [11], sizes = [1], strides = [1]} : vector<16xi32> to vector<1xi32>
    %squeeze3A_59 = vector.extract %slice3A_58[0] : i32 from vector<1xi32>
    %broadcast_in_dim3A_60 = vector.broadcast %squeeze3A_59 : i32 to vector<16xi32>
    %swap3A_61 = arith.constant 176 : index
    %swap3A_62 = tpu.vector_load %arg9[%swap3A_61] {strides = array<i32>} : memref<1024xi32, #tpu.memory_space<vmem>>, vector<16xi32>,
    tpu.vector_store %arg9[%swap3A_61], %broadcast_in_dim3A_60 {strides = array<i32>} : memref<1024xi32, #tpu.memory_space<vmem>>, vector<16xi32>,
    %slice3A_63 = vector.extract_strided_slice %get3A_6 {offsets = [12], sizes = [1], strides = [1]} : vector<16xi32> to vector<1xi32>
    %squeeze3A_64 = vector.extract %slice3A_63[0] : i32 from vector<1xi32>
    %broadcast_in_dim3A_65 = vector.broadcast %squeeze3A_64 : i32 to vector<16xi32>
    %swap3A_66 = arith.constant 192 : index
    %swap3A_67 = tpu.vector_load %arg9[%swap3A_66] {strides = array<i32>} : memref<1024xi32, #tpu.memory_space<vmem>>, vector<16xi32>,
    tpu.vector_store %arg9[%swap3A_66], %broadcast_in_dim3A_65 {strides = array<i32>} : memref<1024xi32, #tpu.memory_space<vmem>>, vector<16xi32>,
    %slice3A_68 = vector.extract_strided_slice %get3A_6 {offsets = [13], sizes = [1], strides = [1]} : vector<16xi32> to vector<1xi32>
    %squeeze3A_69 = vector.extract %slice3A_68[0] : i32 from vector<1xi32>
    %broadcast_in_dim3A_70 = vector.broadcast %squeeze3A_69 : i32 to vector<16xi32>
    %swap3A_71 = arith.constant 208 : index
    %swap3A_72 = tpu.vector_load %arg9[%swap3A_71] {strides = array<i32>} : memref<1024xi32, #tpu.memory_space<vmem>>, vector<16xi32>,
    tpu.vector_store %arg9[%swap3A_71], %broadcast_in_dim3A_70 {strides = array<i32>} : memref<1024xi32, #tpu.memory_space<vmem>>, vector<16xi32>,
    %slice3A_73 = vector.extract_strided_slice %get3A_6 {offsets = [14], sizes = [1], strides = [1]} : vector<16xi32> to vector<1xi32>
    %squeeze3A_74 = vector.extract %slice3A_73[0] : i32 from vector<1xi32>
    %broadcast_in_dim3A_75 = vector.broadcast %squeeze3A_74 : i32 to vector<16xi32>
    %swap3A_76 = arith.constant 224 : index
    %swap3A_77 = tpu.vector_load %arg9[%swap3A_76] {strides = array<i32>} : memref<1024xi32, #tpu.memory_space<vmem>>, vector<16xi32>,
    tpu.vector_store %arg9[%swap3A_76], %broadcast_in_dim3A_75 {strides = array<i32>} : memref<1024xi32, #tpu.memory_space<vmem>>, vector<16xi32>,
    %slice3A_78 = vector.extract_strided_slice %get3A_6 {offsets = [15], sizes = [1], strides = [1]} : vector<16xi32> to vector<1xi32>
    %squeeze3A_79 = vector.extract %slice3A_78[0] : i32 from vector<1xi32>
    %broadcast_in_dim3A_80 = vector.broadcast %squeeze3A_79 : i32 to vector<16xi32>
    %swap3A_81 = arith.constant 240 : index
    %swap3A_82 = tpu.vector_load %arg9[%swap3A_81] {strides = array<i32>} : memref<1024xi32, #tpu.memory_space<vmem>>, vector<16xi32>,
    tpu.vector_store %arg9[%swap3A_81], %broadcast_in_dim3A_80 {strides = array<i32>} : memref<1024xi32, #tpu.memory_space<vmem>>, vector<16xi32>,
    %get3A_83 = arith.constant 16 : index
    %get3A_84 = tpu.vector_load %arg8[%get3A_83] {strides = array<i32>} : memref<64xi32, #tpu.memory_space<vmem>>, vector<16xi32>,
    %slice3A_85 = vector.extract_strided_slice %get3A_84 {offsets = [0], sizes = [1], strides = [1]} : vector<16xi32> to vector<1xi32>
    %squeeze3A_86 = vector.extract %slice3A_85[0] : i32 from vector<1xi32>
    %broadcast_in_dim3A_87 = vector.broadcast %squeeze3A_86 : i32 to vector<16xi32>
    %swap3A_88 = arith.constant 256 : index
    %swap3A_89 = tpu.vector_load %arg9[%swap3A_88] {strides = array<i32>} : memref<1024xi32, #tpu.memory_space<vmem>>, vector<16xi32>,
    tpu.vector_store %arg9[%swap3A_88], %broadcast_in_dim3A_87 {strides = array<i32>} : memref<1024xi32, #tpu.memory_space<vmem>>, vector<16xi32>,
    %slice3A_90 = vector.extract_strided_slice %get3A_84 {offsets = [1], sizes = [1], strides = [1]} : vector<16xi32> to vector<1xi32>
    %squeeze3A_91 = vector.extract %slice3A_90[0] : i32 from vector<1xi32>
    %broadcast_in_dim3A_92 = vector.broadcast %squeeze3A_91 : i32 to vector<16xi32>
    %swap3A_93 = arith.constant 272 : index
    %swap3A_94 = tpu.vector_load %arg9[%swap3A_93] {strides = array<i32>} : memref<1024xi32, #tpu.memory_space<vmem>>, vector<16xi32>,
    tpu.vector_store %arg9[%swap3A_93], %broadcast_in_dim3A_92 {strides = array<i32>} : memref<1024xi32, #tpu.memory_space<vmem>>, vector<16xi32>,
    %slice3A_95 = vector.extract_strided_slice %get3A_84 {offsets = [2], sizes = [1], strides = [1]} : vector<16xi32> to vector<1xi32>
    %squeeze3A_96 = vector.extract %slice3A_95[0] : i32 from vector<1xi32>
    %broadcast_in_dim3A_97 = vector.broadcast %squeeze3A_96 : i32 to vector<16xi32>
    %swap3A_98 = arith.constant 288 : index
    %swap3A_99 = tpu.vector_load %arg9[%swap3A_98] {strides = array<i32>} : memref<1024xi32, #tpu.memory_space<vmem>>, vector<16xi32>,
    tpu.vector_store %arg9[%swap3A_98], %broadcast_in_dim3A_97 {strides = array<i32>} : memref<1024xi32, #tpu.memory_space<vmem>>, vector<16xi32>,
    %slice3A_100 = vector.extract_strided_slice %get3A_84 {offsets = [3], sizes = [1], strides = [1]} : vector<16xi32> to vector<1xi32>
    %squeeze3A_101 = vector.extract %slice3A_100[0] : i32 from vector<1xi32>
    %broadcast_in_dim3A_102 = vector.broadcast %squeeze3A_101 : i32 to vector<16xi32>
    %swap3A_103 = arith.constant 304 : index
    %swap3A_104 = tpu.vector_load %arg9[%swap3A_103] {strides = array<i32>} : memref<1024xi32, #tpu.memory_space<vmem>>, vector<16xi32>,
    tpu.vector_store %arg9[%swap3A_103], %broadcast_in_dim3A_102 {strides = array<i32>} : memref<1024xi32, #tpu.memory_space<vmem>>, vector<16xi32>,
    %slice3A_105 = vector.extract_strided_slice %get3A_84 {offsets = [4], sizes = [1], strides = [1]} : vector<16xi32> to vector<1xi32>
    %squeeze3A_106 = vector.extract %slice3A_105[0] : i32 from vector<1xi32>
    %broadcast_in_dim3A_107 = vector.broadcast %squeeze3A_106 : i32 to vector<16xi32>
    %swap3A_108 = arith.constant 320 : index
    %swap3A_109 = tpu.vector_load %arg9[%swap3A_108] {strides = array<i32>} : memref<1024xi32, #tpu.memory_space<vmem>>, vector<16xi32>,
    tpu.vector_store %arg9[%swap3A_108], %broadcast_in_dim3A_107 {strides = array<i32>} : memref<1024xi32, #tpu.memory_space<vmem>>, vector<16xi32>,
    %slice3A_110 = vector.extract_strided_slice %get3A_84 {offsets = [5], sizes = [1], strides = [1]} : vector<16xi32> to vector<1xi32>
    %squeeze3A_111 = vector.extract %slice3A_110[0] : i32 from vector<1xi32>
    %broadcast_in_dim3A_112 = vector.broadcast %squeeze3A_111 : i32 to vector<16xi32>
    %swap3A_113 = arith.constant 336 : index
    %swap3A_114 = tpu.vector_load %arg9[%swap3A_113] {strides = array<i32>} : memref<1024xi32, #tpu.memory_space<vmem>>, vector<16xi32>,
    tpu.vector_store %arg9[%swap3A_113], %broadcast_in_dim3A_112 {strides = array<i32>} : memref<1024xi32, #tpu.memory_space<vmem>>, vector<16xi32>,
    %slice3A_115 = vector.extract_strided_slice %get3A_84 {offsets = [6], sizes = [1], strides = [1]} : vector<16xi32> to vector<1xi32>
    %squeeze3A_116 = vector.extract %slice3A_115[0] : i32 from vector<1xi32>
    %broadcast_in_dim3A_117 = vector.broadcast %squeeze3A_116 : i32 to vector<16xi32>
    %swap3A_118 = arith.constant 352 : index
    %swap3A_119 = tpu.vector_load %arg9[%swap3A_118] {strides = array<i32>} : memref<1024xi32, #tpu.memory_space<vmem>>, vector<16xi32>,
    tpu.vector_store %arg9[%swap3A_118], %broadcast_in_dim3A_117 {strides = array<i32>} : memref<1024xi32, #tpu.memory_space<vmem>>, vector<16xi32>,
    %slice3A_120 = vector.extract_strided_slice %get3A_84 {offsets = [7], sizes = [1], strides = [1]} : vector<16xi32> to vector<1xi32>
    %squeeze3A_121 = vector.extract %slice3A_120[0] : i32 from vector<1xi32>
    %broadcast_in_dim3A_122 = vector.broadcast %squeeze3A_121 : i32 to vector<16xi32>
    %swap3A_123 = arith.constant 368 : index
    %swap3A_124 = tpu.vector_load %arg9[%swap3A_123] {strides = array<i32>} : memref<1024xi32, #tpu.memory_space<vmem>>, vector<16xi32>,
    tpu.vector_store %arg9[%swap3A_123], %broadcast_in_dim3A_122 {strides = array<i32>} : memref<1024xi32, #tpu.memory_space<vmem>>, vector<16xi32>,
    %slice3A_125 = vector.extract_strided_slice %get3A_84 {offsets = [8], sizes = [1], strides = [1]} : vector<16xi32> to vector<1xi32>
    %squeeze3A_126 = vector.extract %slice3A_125[0] : i32 from vector<1xi32>
    %broadcast_in_dim3A_127 = vector.broadcast %squeeze3A_126 : i32 to vector<16xi32>
    %swap3A_128 = arith.constant 384 : index
    %swap3A_129 = tpu.vector_load %arg9[%swap3A_128] {strides = array<i32>} : memref<1024xi32, #tpu.memory_space<vmem>>, vector<16xi32>,
    tpu.vector_store %arg9[%swap3A_128], %broadcast_in_dim3A_127 {strides = array<i32>} : memref<1024xi32, #tpu.memory_space<vmem>>, vector<16xi32>,
    %slice3A_130 = vector.extract_strided_slice %get3A_84 {offsets = [9], sizes = [1], strides = [1]} : vector<16xi32> to vector<1xi32>
    %squeeze3A_131 = vector.extract %slice3A_130[0] : i32 from vector<1xi32>
    %broadcast_in_dim3A_132 = vector.broadcast %squeeze3A_131 : i32 to vector<16xi32>
    %swap3A_133 = arith.constant 400 : index
    %swap3A_134 = tpu.vector_load %arg9[%swap3A_133] {strides = array<i32>} : memref<1024xi32, #tpu.memory_space<vmem>>, vector<16xi32>,
    tpu.vector_store %arg9[%swap3A_133], %broadcast_in_dim3A_132 {strides = array<i32>} : memref<1024xi32, #tpu.memory_space<vmem>>, vector<16xi32>,
    %slice3A_135 = vector.extract_strided_slice %get3A_84 {offsets = [10], sizes = [1], strides = [1]} : vector<16xi32> to vector<1xi32>
    %squeeze3A_136 = vector.extract %slice3A_135[0] : i32 from vector<1xi32>
    %broadcast_in_dim3A_137 = vector.broadcast %squeeze3A_136 : i32 to vector<16xi32>
    %swap3A_138 = arith.constant 416 : index
    %swap3A_139 = tpu.vector_load %arg9[%swap3A_138] {strides = array<i32>} : memref<1024xi32, #tpu.memory_space<vmem>>, vector<16xi32>,
    tpu.vector_store %arg9[%swap3A_138], %broadcast_in_dim3A_137 {strides = array<i32>} : memref<1024xi32, #tpu.memory_space<vmem>>, vector<16xi32>,
    %slice3A_140 = vector.extract_strided_slice %get3A_84 {offsets = [11], sizes = [1], strides = [1]} : vector<16xi32> to vector<1xi32>
    %squeeze3A_141 = vector.extract %slice3A_140[0] : i32 from vector<1xi32>
    %broadcast_in_dim3A_142 = vector.broadcast %squeeze3A_141 : i32 to vector<16xi32>
    %swap3A_143 = arith.constant 432 : index
    %swap3A_144 = tpu.vector_load %arg9[%swap3A_143] {strides = array<i32>} : memref<1024xi32, #tpu.memory_space<vmem>>, vector<16xi32>,
    tpu.vector_store %arg9[%swap3A_143], %broadcast_in_dim3A_142 {strides = array<i32>} : memref<1024xi32, #tpu.memory_space<vmem>>, vector<16xi32>,
    %slice3A_145 = vector.extract_strided_slice %get3A_84 {offsets = [12], sizes = [1], strides = [1]} : vector<16xi32> to vector<1xi32>
    %squeeze3A_146 = vector.extract %slice3A_145[0] : i32 from vector<1xi32>
    %broadcast_in_dim3A_147 = vector.broadcast %squeeze3A_146 : i32 to vector<16xi32>
    %swap3A_148 = arith.constant 448 : index
    %swap3A_149 = tpu.vector_load %arg9[%swap3A_148] {strides = array<i32>} : memref<1024xi32, #tpu.memory_space<vmem>>, vector<16xi32>,
    tpu.vector_store %arg9[%swap3A_148], %broadcast_in_dim3A_147 {strides = array<i32>} : memref<1024xi32, #tpu.memory_space<vmem>>, vector<16xi32>,
    %slice3A_150 = vector.extract_strided_slice %get3A_84 {offsets = [13], sizes = [1], strides = [1]} : vector<16xi32> to vector<1xi32>
    %squeeze3A_151 = vector.extract %slice3A_150[0] : i32 from vector<1xi32>
    %broadcast_in_dim3A_152 = vector.broadcast %squeeze3A_151 : i32 to vector<16xi32>
    %swap3A_153 = arith.constant 464 : index
    %swap3A_154 = tpu.vector_load %arg9[%swap3A_153] {strides = array<i32>} : memref<1024xi32, #tpu.memory_space<vmem>>, vector<16xi32>,
    tpu.vector_store %arg9[%swap3A_153], %broadcast_in_dim3A_152 {strides = array<i32>} : memref<1024xi32, #tpu.memory_space<vmem>>, vector<16xi32>,
    %slice3A_155 = vector.extract_strided_slice %get3A_84 {offsets = [14], sizes = [1], strides = [1]} : vector<16xi32> to vector<1xi32>
    %squeeze3A_156 = vector.extract %slice3A_155[0] : i32 from vector<1xi32>
    %broadcast_in_dim3A_157 = vector.broadcast %squeeze3A_156 : i32 to vector<16xi32>
    %swap3A_158 = arith.constant 480 : index
    %swap3A_159 = tpu.vector_load %arg9[%swap3A_158] {strides = array<i32>} : memref<1024xi32, #tpu.memory_space<vmem>>, vector<16xi32>,
    tpu.vector_store %arg9[%swap3A_158], %broadcast_in_dim3A_157 {strides = array<i32>} : memref<1024xi32, #tpu.memory_space<vmem>>, vector<16xi32>,
    %slice3A_160 = vector.extract_strided_slice %get3A_84 {offsets = [15], sizes = [1], strides = [1]} : vector<16xi32> to vector<1xi32>
    %squeeze3A_161 = vector.extract %slice3A_160[0] : i32 from vector<1xi32>
    %broadcast_in_dim3A_162 = vector.broadcast %squeeze3A_161 : i32 to vector<16xi32>
    %swap3A_163 = arith.constant 496 : index
    %swap3A_164 = tpu.vector_load %arg9[%swap3A_163] {strides = array<i32>} : memref<1024xi32, #tpu.memory_space<vmem>>, vector<16xi32>,
    tpu.vector_store %arg9[%swap3A_163], %broadcast_in_dim3A_162 {strides = array<i32>} : memref<1024xi32, #tpu.memory_space<vmem>>, vector<16xi32>,
    %get3A_165 = arith.constant 32 : index
    %get3A_166 = tpu.vector_load %arg8[%get3A_165] {strides = array<i32>} : memref<64xi32, #tpu.memory_space<vmem>>, vector<16xi32>,
    %slice3A_167 = vector.extract_strided_slice %get3A_166 {offsets = [0], sizes = [1], strides = [1]} : vector<16xi32> to vector<1xi32>
    %squeeze3A_168 = vector.extract %slice3A_167[0] : i32 from vector<1xi32>
    %broadcast_in_dim3A_169 = vector.broadcast %squeeze3A_168 : i32 to vector<16xi32>
    %swap3A_170 = arith.constant 512 : index
    %swap3A_171 = tpu.vector_load %arg9[%swap3A_170] {strides = array<i32>} : memref<1024xi32, #tpu.memory_space<vmem>>, vector<16xi32>,
    tpu.vector_store %arg9[%swap3A_170], %broadcast_in_dim3A_169 {strides = array<i32>} : memref<1024xi32, #tpu.memory_space<vmem>>, vector<16xi32>,
    %slice3A_172 = vector.extract_strided_slice %get3A_166 {offsets = [1], sizes = [1], strides = [1]} : vector<16xi32> to vector<1xi32>
    %squeeze3A_173 = vector.extract %slice3A_172[0] : i32 from vector<1xi32>
    %broadcast_in_dim3A_174 = vector.broadcast %squeeze3A_173 : i32 to vector<16xi32>
    %swap3A_175 = arith.constant 528 : index
    %swap3A_176 = tpu.vector_load %arg9[%swap3A_175] {strides = array<i32>} : memref<1024xi32, #tpu.memory_space<vmem>>, vector<16xi32>,
    tpu.vector_store %arg9[%swap3A_175], %broadcast_in_dim3A_174 {strides = array<i32>} : memref<1024xi32, #tpu.memory_space<vmem>>, vector<16xi32>,
    %slice3A_177 = vector.extract_strided_slice %get3A_166 {offsets = [2], sizes = [1], strides = [1]} : vector<16xi32> to vector<1xi32>
    %squeeze3A_178 = vector.extract %slice3A_177[0] : i32 from vector<1xi32>
    %broadcast_in_dim3A_179 = vector.broadcast %squeeze3A_178 : i32 to vector<16xi32>
    %swap3A_180 = arith.constant 544 : index
    %swap3A_181 = tpu.vector_load %arg9[%swap3A_180] {strides = array<i32>} : memref<1024xi32, #tpu.memory_space<vmem>>, vector<16xi32>,
    tpu.vector_store %arg9[%swap3A_180], %broadcast_in_dim3A_179 {strides = array<i32>} : memref<1024xi32, #tpu.memory_space<vmem>>, vector<16xi32>,
    %slice3A_182 = vector.extract_strided_slice %get3A_166 {offsets = [3], sizes = [1], strides = [1]} : vector<16xi32> to vector<1xi32>
    %squeeze3A_183 = vector.extract %slice3A_182[0] : i32 from vector<1xi32>
    %broadcast_in_dim3A_184 = vector.broadcast %squeeze3A_183 : i32 to vector<16xi32>
    %swap3A_185 = arith.constant 560 : index
    %swap3A_186 = tpu.vector_load %arg9[%swap3A_185] {strides = array<i32>} : memref<1024xi32, #tpu.memory_space<vmem>>, vector<16xi32>,
    tpu.vector_store %arg9[%swap3A_185], %broadcast_in_dim3A_184 {strides = array<i32>} : memref<1024xi32, #tpu.memory_space<vmem>>, vector<16xi32>,
    %slice3A_187 = vector.extract_strided_slice %get3A_166 {offsets = [4], sizes = [1], strides = [1]} : vector<16xi32> to vector<1xi32>
    %squeeze3A_188 = vector.extract %slice3A_187[0] : i32 from vector<1xi32>
    %broadcast_in_dim3A_189 = vector.broadcast %squeeze3A_188 : i32 to vector<16xi32>
    %swap3A_190 = arith.constant 576 : index
    %swap3A_191 = tpu.vector_load %arg9[%swap3A_190] {strides = array<i32>} : memref<1024xi32, #tpu.memory_space<vmem>>, vector<16xi32>,
    tpu.vector_store %arg9[%swap3A_190], %broadcast_in_dim3A_189 {strides = array<i32>} : memref<1024xi32, #tpu.memory_space<vmem>>, vector<16xi32>,
    %slice3A_192 = vector.extract_strided_slice %get3A_166 {offsets = [5], sizes = [1], strides = [1]} : vector<16xi32> to vector<1xi32>
    %squeeze3A_193 = vector.extract %slice3A_192[0] : i32 from vector<1xi32>
    %broadcast_in_dim3A_194 = vector.broadcast %squeeze3A_193 : i32 to vector<16xi32>
    %swap3A_195 = arith.constant 592 : index
    %swap3A_196 = tpu.vector_load %arg9[%swap3A_195] {strides = array<i32>} : memref<1024xi32, #tpu.memory_space<vmem>>, vector<16xi32>,
    tpu.vector_store %arg9[%swap3A_195], %broadcast_in_dim3A_194 {strides = array<i32>} : memref<1024xi32, #tpu.memory_space<vmem>>, vector<16xi32>,
    %slice3A_197 = vector.extract_strided_slice %get3A_166 {offsets = [6], sizes = [1], strides = [1]} : vector<16xi32> to vector<1xi32>
    %squeeze3A_198 = vector.extract %slice3A_197[0] : i32 from vector<1xi32>
    %broadcast_in_dim3A_199 = vector.broadcast %squeeze3A_198 : i32 to vector<16xi32>
    %swap3A_200 = arith.constant 608 : index
    %swap3A_201 = tpu.vector_load %arg9[%swap3A_200] {strides = array<i32>} : memref<1024xi32, #tpu.memory_space<vmem>>, vector<16xi32>,
    tpu.vector_store %arg9[%swap3A_200], %broadcast_in_dim3A_199 {strides = array<i32>} : memref<1024xi32, #tpu.memory_space<vmem>>, vector<16xi32>,
    %slice3A_202 = vector.extract_strided_slice %get3A_166 {offsets = [7], sizes = [1], strides = [1]} : vector<16xi32> to vector<1xi32>
    %squeeze3A_203 = vector.extract %slice3A_202[0] : i32 from vector<1xi32>
    %broadcast_in_dim3A_204 = vector.broadcast %squeeze3A_203 : i32 to vector<16xi32>
    %swap3A_205 = arith.constant 624 : index
    %swap3A_206 = tpu.vector_load %arg9[%swap3A_205] {strides = array<i32>} : memref<1024xi32, #tpu.memory_space<vmem>>, vector<16xi32>,
    tpu.vector_store %arg9[%swap3A_205], %broadcast_in_dim3A_204 {strides = array<i32>} : memref<1024xi32, #tpu.memory_space<vmem>>, vector<16xi32>,
    %slice3A_207 = vector.extract_strided_slice %get3A_166 {offsets = [8], sizes = [1], strides = [1]} : vector<16xi32> to vector<1xi32>
    %squeeze3A_208 = vector.extract %slice3A_207[0] : i32 from vector<1xi32>
    %broadcast_in_dim3A_209 = vector.broadcast %squeeze3A_208 : i32 to vector<16xi32>
    %swap3A_210 = arith.constant 640 : index
    %swap3A_211 = tpu.vector_load %arg9[%swap3A_210] {strides = array<i32>} : memref<1024xi32, #tpu.memory_space<vmem>>, vector<16xi32>,
    tpu.vector_store %arg9[%swap3A_210], %broadcast_in_dim3A_209 {strides = array<i32>} : memref<1024xi32, #tpu.memory_space<vmem>>, vector<16xi32>,
    %slice3A_212 = vector.extract_strided_slice %get3A_166 {offsets = [9], sizes = [1], strides = [1]} : vector<16xi32> to vector<1xi32>
    %squeeze3A_213 = vector.extract %slice3A_212[0] : i32 from vector<1xi32>
    %broadcast_in_dim3A_214 = vector.broadcast %squeeze3A_213 : i32 to vector<16xi32>
    %swap3A_215 = arith.constant 656 : index
    %swap3A_216 = tpu.vector_load %arg9[%swap3A_215] {strides = array<i32>} : memref<1024xi32, #tpu.memory_space<vmem>>, vector<16xi32>,
    tpu.vector_store %arg9[%swap3A_215], %broadcast_in_dim3A_214 {strides = array<i32>} : memref<1024xi32, #tpu.memory_space<vmem>>, vector<16xi32>,
    %slice3A_217 = vector.extract_strided_slice %get3A_166 {offsets = [10], sizes = [1], strides = [1]} : vector<16xi32> to vector<1xi32>
    %squeeze3A_218 = vector.extract %slice3A_217[0] : i32 from vector<1xi32>
    %broadcast_in_dim3A_219 = vector.broadcast %squeeze3A_218 : i32 to vector<16xi32>
    %swap3A_220 = arith.constant 672 : index
    %swap3A_221 = tpu.vector_load %arg9[%swap3A_220] {strides = array<i32>} : memref<1024xi32, #tpu.memory_space<vmem>>, vector<16xi32>,
    tpu.vector_store %arg9[%swap3A_220], %broadcast_in_dim3A_219 {strides = array<i32>} : memref<1024xi32, #tpu.memory_space<vmem>>, vector<16xi32>,
    %slice3A_222 = vector.extract_strided_slice %get3A_166 {offsets = [11], sizes = [1], strides = [1]} : vector<16xi32> to vector<1xi32>
    %squeeze3A_223 = vector.extract %slice3A_222[0] : i32 from vector<1xi32>
    %broadcast_in_dim3A_224 = vector.broadcast %squeeze3A_223 : i32 to vector<16xi32>
    %swap3A_225 = arith.constant 688 : index
    %swap3A_226 = tpu.vector_load %arg9[%swap3A_225] {strides = array<i32>} : memref<1024xi32, #tpu.memory_space<vmem>>, vector<16xi32>,
    tpu.vector_store %arg9[%swap3A_225], %broadcast_in_dim3A_224 {strides = array<i32>} : memref<1024xi32, #tpu.memory_space<vmem>>, vector<16xi32>,
    %slice3A_227 = vector.extract_strided_slice %get3A_166 {offsets = [12], sizes = [1], strides = [1]} : vector<16xi32> to vector<1xi32>
    %squeeze3A_228 = vector.extract %slice3A_227[0] : i32 from vector<1xi32>
    %broadcast_in_dim3A_229 = vector.broadcast %squeeze3A_228 : i32 to vector<16xi32>
    %swap3A_230 = arith.constant 704 : index
    %swap3A_231 = tpu.vector_load %arg9[%swap3A_230] {strides = array<i32>} : memref<1024xi32, #tpu.memory_space<vmem>>, vector<16xi32>,
    tpu.vector_store %arg9[%swap3A_230], %broadcast_in_dim3A_229 {strides = array<i32>} : memref<1024xi32, #tpu.memory_space<vmem>>, vector<16xi32>,
    %slice3A_232 = vector.extract_strided_slice %get3A_166 {offsets = [13], sizes = [1], strides = [1]} : vector<16xi32> to vector<1xi32>
    %squeeze3A_233 = vector.extract %slice3A_232[0] : i32 from vector<1xi32>
    %broadcast_in_dim3A_234 = vector.broadcast %squeeze3A_233 : i32 to vector<16xi32>
    %swap3A_235 = arith.constant 720 : index
    %swap3A_236 = tpu.vector_load %arg9[%swap3A_235] {strides = array<i32>} : memref<1024xi32, #tpu.memory_space<vmem>>, vector<16xi32>,
    tpu.vector_store %arg9[%swap3A_235], %broadcast_in_dim3A_234 {strides = array<i32>} : memref<1024xi32, #tpu.memory_space<vmem>>, vector<16xi32>,
    %slice3A_237 = vector.extract_strided_slice %get3A_166 {offsets = [14], sizes = [1], strides = [1]} : vector<16xi32> to vector<1xi32>
    %squeeze3A_238 = vector.extract %slice3A_237[0] : i32 from vector<1xi32>
    %broadcast_in_dim3A_239 = vector.broadcast %squeeze3A_238 : i32 to vector<16xi32>
    %swap3A_240 = arith.constant 736 : index
    %swap3A_241 = tpu.vector_load %arg9[%swap3A_240] {strides = array<i32>} : memref<1024xi32, #tpu.memory_space<vmem>>, vector<16xi32>,
    tpu.vector_store %arg9[%swap3A_240], %broadcast_in_dim3A_239 {strides = array<i32>} : memref<1024xi32, #tpu.memory_space<vmem>>, vector<16xi32>,
    %slice3A_242 = vector.extract_strided_slice %get3A_166 {offsets = [15], sizes = [1], strides = [1]} : vector<16xi32> to vector<1xi32>
    %squeeze3A_243 = vector.extract %slice3A_242[0] : i32 from vector<1xi32>
    %broadcast_in_dim3A_244 = vector.broadcast %squeeze3A_243 : i32 to vector<16xi32>
    %swap3A_245 = arith.constant 752 : index
    %swap3A_246 = tpu.vector_load %arg9[%swap3A_245] {strides = array<i32>} : memref<1024xi32, #tpu.memory_space<vmem>>, vector<16xi32>,
    tpu.vector_store %arg9[%swap3A_245], %broadcast_in_dim3A_244 {strides = array<i32>} : memref<1024xi32, #tpu.memory_space<vmem>>, vector<16xi32>,
    %get3A_247 = arith.constant 48 : index
    %get3A_248 = tpu.vector_load %arg8[%get3A_247] {strides = array<i32>} : memref<64xi32, #tpu.memory_space<vmem>>, vector<16xi32>,
    %slice3A_249 = vector.extract_strided_slice %get3A_248 {offsets = [0], sizes = [1], strides = [1]} : vector<16xi32> to vector<1xi32>
    %squeeze3A_250 = vector.extract %slice3A_249[0] : i32 from vector<1xi32>
    %broadcast_in_dim3A_251 = vector.broadcast %squeeze3A_250 : i32 to vector<16xi32>
    %swap3A_252 = arith.constant 768 : index
    %swap3A_253 = tpu.vector_load %arg9[%swap3A_252] {strides = array<i32>} : memref<1024xi32, #tpu.memory_space<vmem>>, vector<16xi32>,
    tpu.vector_store %arg9[%swap3A_252], %broadcast_in_dim3A_251 {strides = array<i32>} : memref<1024xi32, #tpu.memory_space<vmem>>, vector<16xi32>,
    %slice3A_254 = vector.extract_strided_slice %get3A_248 {offsets = [1], sizes = [1], strides = [1]} : vector<16xi32> to vector<1xi32>
    %squeeze3A_255 = vector.extract %slice3A_254[0] : i32 from vector<1xi32>
    %broadcast_in_dim3A_256 = vector.broadcast %squeeze3A_255 : i32 to vector<16xi32>
    %swap3A_257 = arith.constant 784 : index
    %swap3A_258 = tpu.vector_load %arg9[%swap3A_257] {strides = array<i32>} : memref<1024xi32, #tpu.memory_space<vmem>>, vector<16xi32>,
    tpu.vector_store %arg9[%swap3A_257], %broadcast_in_dim3A_256 {strides = array<i32>} : memref<1024xi32, #tpu.memory_space<vmem>>, vector<16xi32>,
    %slice3A_259 = vector.extract_strided_slice %get3A_248 {offsets = [2], sizes = [1], strides = [1]} : vector<16xi32> to vector<1xi32>
    %squeeze3A_260 = vector.extract %slice3A_259[0] : i32 from vector<1xi32>
    %broadcast_in_dim3A_261 = vector.broadcast %squeeze3A_260 : i32 to vector<16xi32>
    %swap3A_262 = arith.constant 800 : index
    %swap3A_263 = tpu.vector_load %arg9[%swap3A_262] {strides = array<i32>} : memref<1024xi32, #tpu.memory_space<vmem>>, vector<16xi32>,
    tpu.vector_store %arg9[%swap3A_262], %broadcast_in_dim3A_261 {strides = array<i32>} : memref<1024xi32, #tpu.memory_space<vmem>>, vector<16xi32>,
    %slice3A_264 = vector.extract_strided_slice %get3A_248 {offsets = [3], sizes = [1], strides = [1]} : vector<16xi32> to vector<1xi32>
    %squeeze3A_265 = vector.extract %slice3A_264[0] : i32 from vector<1xi32>
    %broadcast_in_dim3A_266 = vector.broadcast %squeeze3A_265 : i32 to vector<16xi32>
    %swap3A_267 = arith.constant 816 : index
    %swap3A_268 = tpu.vector_load %arg9[%swap3A_267] {strides = array<i32>} : memref<1024xi32, #tpu.memory_space<vmem>>, vector<16xi32>,
    tpu.vector_store %arg9[%swap3A_267], %broadcast_in_dim3A_266 {strides = array<i32>} : memref<1024xi32, #tpu.memory_space<vmem>>, vector<16xi32>,
    %slice3A_269 = vector.extract_strided_slice %get3A_248 {offsets = [4], sizes = [1], strides = [1]} : vector<16xi32> to vector<1xi32>
    %squeeze3A_270 = vector.extract %slice3A_269[0] : i32 from vector<1xi32>
    %broadcast_in_dim3A_271 = vector.broadcast %squeeze3A_270 : i32 to vector<16xi32>
    %swap3A_272 = arith.constant 832 : index
    %swap3A_273 = tpu.vector_load %arg9[%swap3A_272] {strides = array<i32>} : memref<1024xi32, #tpu.memory_space<vmem>>, vector<16xi32>,
    tpu.vector_store %arg9[%swap3A_272], %broadcast_in_dim3A_271 {strides = array<i32>} : memref<1024xi32, #tpu.memory_space<vmem>>, vector<16xi32>,
    %slice3A_274 = vector.extract_strided_slice %get3A_248 {offsets = [5], sizes = [1], strides = [1]} : vector<16xi32> to vector<1xi32>
    %squeeze3A_275 = vector.extract %slice3A_274[0] : i32 from vector<1xi32>
    %broadcast_in_dim3A_276 = vector.broadcast %squeeze3A_275 : i32 to vector<16xi32>
    %swap3A_277 = arith.constant 848 : index
    %swap3A_278 = tpu.vector_load %arg9[%swap3A_277] {strides = array<i32>} : memref<1024xi32, #tpu.memory_space<vmem>>, vector<16xi32>,
    tpu.vector_store %arg9[%swap3A_277], %broadcast_in_dim3A_276 {strides = array<i32>} : memref<1024xi32, #tpu.memory_space<vmem>>, vector<16xi32>,
    %slice3A_279 = vector.extract_strided_slice %get3A_248 {offsets = [6], sizes = [1], strides = [1]} : vector<16xi32> to vector<1xi32>
    %squeeze3A_280 = vector.extract %slice3A_279[0] : i32 from vector<1xi32>
    %broadcast_in_dim3A_281 = vector.broadcast %squeeze3A_280 : i32 to vector<16xi32>
    %swap3A_282 = arith.constant 864 : index
    %swap3A_283 = tpu.vector_load %arg9[%swap3A_282] {strides = array<i32>} : memref<1024xi32, #tpu.memory_space<vmem>>, vector<16xi32>,
    tpu.vector_store %arg9[%swap3A_282], %broadcast_in_dim3A_281 {strides = array<i32>} : memref<1024xi32, #tpu.memory_space<vmem>>, vector<16xi32>,
    %slice3A_284 = vector.extract_strided_slice %get3A_248 {offsets = [7], sizes = [1], strides = [1]} : vector<16xi32> to vector<1xi32>
    %squeeze3A_285 = vector.extract %slice3A_284[0] : i32 from vector<1xi32>
    %broadcast_in_dim3A_286 = vector.broadcast %squeeze3A_285 : i32 to vector<16xi32>
    %swap3A_287 = arith.constant 880 : index
    %swap3A_288 = tpu.vector_load %arg9[%swap3A_287] {strides = array<i32>} : memref<1024xi32, #tpu.memory_space<vmem>>, vector<16xi32>,
    tpu.vector_store %arg9[%swap3A_287], %broadcast_in_dim3A_286 {strides = array<i32>} : memref<1024xi32, #tpu.memory_space<vmem>>, vector<16xi32>,
    %slice3A_289 = vector.extract_strided_slice %get3A_248 {offsets = [8], sizes = [1], strides = [1]} : vector<16xi32> to vector<1xi32>
    %squeeze3A_290 = vector.extract %slice3A_289[0] : i32 from vector<1xi32>
    %broadcast_in_dim3A_291 = vector.broadcast %squeeze3A_290 : i32 to vector<16xi32>
    %swap3A_292 = arith.constant 896 : index
    %swap3A_293 = tpu.vector_load %arg9[%swap3A_292] {strides = array<i32>} : memref<1024xi32, #tpu.memory_space<vmem>>, vector<16xi32>,
    tpu.vector_store %arg9[%swap3A_292], %broadcast_in_dim3A_291 {strides = array<i32>} : memref<1024xi32, #tpu.memory_space<vmem>>, vector<16xi32>,
    %slice3A_294 = vector.extract_strided_slice %get3A_248 {offsets = [9], sizes = [1], strides = [1]} : vector<16xi32> to vector<1xi32>
    %squeeze3A_295 = vector.extract %slice3A_294[0] : i32 from vector<1xi32>
    %broadcast_in_dim3A_296 = vector.broadcast %squeeze3A_295 : i32 to vector<16xi32>
    %swap3A_297 = arith.constant 912 : index
    %swap3A_298 = tpu.vector_load %arg9[%swap3A_297] {strides = array<i32>} : memref<1024xi32, #tpu.memory_space<vmem>>, vector<16xi32>,
    tpu.vector_store %arg9[%swap3A_297], %broadcast_in_dim3A_296 {strides = array<i32>} : memref<1024xi32, #tpu.memory_space<vmem>>, vector<16xi32>,
    %slice3A_299 = vector.extract_strided_slice %get3A_248 {offsets = [10], sizes = [1], strides = [1]} : vector<16xi32> to vector<1xi32>
    %squeeze3A_300 = vector.extract %slice3A_299[0] : i32 from vector<1xi32>
    %broadcast_in_dim3A_301 = vector.broadcast %squeeze3A_300 : i32 to vector<16xi32>
    %swap3A_302 = arith.constant 928 : index
    %swap3A_303 = tpu.vector_load %arg9[%swap3A_302] {strides = array<i32>} : memref<1024xi32, #tpu.memory_space<vmem>>, vector<16xi32>,
    tpu.vector_store %arg9[%swap3A_302], %broadcast_in_dim3A_301 {strides = array<i32>} : memref<1024xi32, #tpu.memory_space<vmem>>, vector<16xi32>,
    %slice3A_304 = vector.extract_strided_slice %get3A_248 {offsets = [11], sizes = [1], strides = [1]} : vector<16xi32> to vector<1xi32>
    %squeeze3A_305 = vector.extract %slice3A_304[0] : i32 from vector<1xi32>
    %broadcast_in_dim3A_306 = vector.broadcast %squeeze3A_305 : i32 to vector<16xi32>
    %swap3A_307 = arith.constant 944 : index
    %swap3A_308 = tpu.vector_load %arg9[%swap3A_307] {strides = array<i32>} : memref<1024xi32, #tpu.memory_space<vmem>>, vector<16xi32>,
    tpu.vector_store %arg9[%swap3A_307], %broadcast_in_dim3A_306 {strides = array<i32>} : memref<1024xi32, #tpu.memory_space<vmem>>, vector<16xi32>,
    %slice3A_309 = vector.extract_strided_slice %get3A_248 {offsets = [12], sizes = [1], strides = [1]} : vector<16xi32> to vector<1xi32>
    %squeeze3A_310 = vector.extract %slice3A_309[0] : i32 from vector<1xi32>
    %broadcast_in_dim3A_311 = vector.broadcast %squeeze3A_310 : i32 to vector<16xi32>
    %swap3A_312 = arith.constant 960 : index
    %swap3A_313 = tpu.vector_load %arg9[%swap3A_312] {strides = array<i32>} : memref<1024xi32, #tpu.memory_space<vmem>>, vector<16xi32>,
    tpu.vector_store %arg9[%swap3A_312], %broadcast_in_dim3A_311 {strides = array<i32>} : memref<1024xi32, #tpu.memory_space<vmem>>, vector<16xi32>,
    %slice3A_314 = vector.extract_strided_slice %get3A_248 {offsets = [13], sizes = [1], strides = [1]} : vector<16xi32> to vector<1xi32>
    %squeeze3A_315 = vector.extract %slice3A_314[0] : i32 from vector<1xi32>
    %broadcast_in_dim3A_316 = vector.broadcast %squeeze3A_315 : i32 to vector<16xi32>
    %swap3A_317 = arith.constant 976 : index
    %swap3A_318 = tpu.vector_load %arg9[%swap3A_317] {strides = array<i32>} : memref<1024xi32, #tpu.memory_space<vmem>>, vector<16xi32>,
    tpu.vector_store %arg9[%swap3A_317], %broadcast_in_dim3A_316 {strides = array<i32>} : memref<1024xi32, #tpu.memory_space<vmem>>, vector<16xi32>,
    %slice3A_319 = vector.extract_strided_slice %get3A_248 {offsets = [14], sizes = [1], strides = [1]} : vector<16xi32> to vector<1xi32>
    %squeeze3A_320 = vector.extract %slice3A_319[0] : i32 from vector<1xi32>
    %broadcast_in_dim3A_321 = vector.broadcast %squeeze3A_320 : i32 to vector<16xi32>
    %swap3A_322 = arith.constant 992 : index
    %swap3A_323 = tpu.vector_load %arg9[%swap3A_322] {strides = array<i32>} : memref<1024xi32, #tpu.memory_space<vmem>>, vector<16xi32>,
    tpu.vector_store %arg9[%swap3A_322], %broadcast_in_dim3A_321 {strides = array<i32>} : memref<1024xi32, #tpu.memory_space<vmem>>, vector<16xi32>,
    %slice3A_324 = vector.extract_strided_slice %get3A_248 {offsets = [15], sizes = [1], strides = [1]} : vector<16xi32> to vector<1xi32>
    %squeeze3A_325 = vector.extract %slice3A_324[0] : i32 from vector<1xi32>
    %broadcast_in_dim3A_326 = vector.broadcast %squeeze3A_325 : i32 to vector<16xi32>
    %swap3A_327 = arith.constant 1008 : index
    %swap3A_328 = tpu.vector_load %arg9[%swap3A_327] {strides = array<i32>} : memref<1024xi32, #tpu.memory_space<vmem>>, vector<16xi32>,
    tpu.vector_store %arg9[%swap3A_327], %broadcast_in_dim3A_326 {strides = array<i32>} : memref<1024xi32, #tpu.memory_space<vmem>>, vector<16xi32>,
    %get3A_329 = arith.constant 0 : index
    %get3A_330 = tpu.vector_load %arg10[%get3A_329] {strides = array<i32>} : memref<16xf32, #tpu.memory_space<vmem>>, vector<16xf32>,
    %add3A_331 = arith.constant 9.99999968E-21 : f32
    %add3A_332 = vector.broadcast %add3A_331 : f32 to vector<16xf32>
    %add3A_333 = arith.addf %get3A_330, %add3A_332 : vector<16xf32>
    %div3A = arith.divf %get3A_330, %add3A_333 : vector<16xf32>
    %ge3A = arith.constant 8 : i32
    %ge3A_334 = vector.broadcast %ge3A : i32 to vector<16xi32>
    %ge3A_335 = arith.cmpi sge, %iota3A, %ge3A_334 : vector<16xi32>
    %convert_element_type3A = arith.extui %ge3A_335 : vector<16xi1> to vector<16xi32>
    %broadcast_in_dim3A_336 = arith.constant 0 : i32
    %broadcast_in_dim3A_337 = vector.broadcast %broadcast_in_dim3A_336 : i32 to vector<16xi32>
    %scan3A = arith.constant 0 : i32
    %scan3A_338 = arith.constant 0 : i32
    %scan3A_339 = arith.constant 2 : i32
    %scan3A_340 = arith.addi %scan3A_338, %scan3A_339 : i32
    %scan3A_341 = arith.constant 1 : i32
    scf.for %scan3A_349 = %scan3A_338 to %scan3A_340 step %scan3A_341  : i32 {
      %mul3A_350 = arith.constant 16 : i32
      %mul3A_351 = arith.muli %scan3A_349, %mul3A_350 : i32
      %add3A_352 = arith.addi %mul3A_2, %mul3A_351 : i32
      %mul3A_353 = arith.constant 256 : i32
      %mul3A_354 = arith.muli %add3A_352, %mul3A_353 : i32
      "tpu.region"() ({
        %run_scoped3A = tpu.sem_alloc : memref<!tpu.dma_semaphore, #tpu.memory_space<semaphore_mem>>
        %dma_start3A = arith.constant 0 : i32
        %dma_start3A_1623 = tpu.memref_slice %arg2[%mul3A_354, %dma_start3A] : memref<262144x16xf32, #tpu.memory_space<hbm>> -> memref<4096x16xf32, #tpu.memory_space<hbm>>
        %dma_start3A_1624 = arith.constant 0 : i32
        %dma_start3A_1625 = tpu.memref_slice %arg2[%mul3A_354, %dma_start3A_1624] : memref<262144x16xf32, #tpu.memory_space<hbm>> -> memref<4096x16xf32, #tpu.memory_space<hbm>>
        tpu.enqueue_dma source(%dma_start3A_1625 : memref<4096x16xf32, #tpu.memory_space<hbm>>) target(%arg7 : memref<4096x16xf32, #tpu.memory_space<vmem>>) target_semaphore(%run_scoped3A : memref<!tpu.dma_semaphore, #tpu.memory_space<semaphore_mem>>)
        %dma_wait3A = arith.constant 0 : i32
        %dma_wait3A_1626 = tpu.memref_slice %arg2[%mul3A_354, %dma_wait3A] : memref<262144x16xf32, #tpu.memory_space<hbm>> -> memref<4096x16xf32, #tpu.memory_space<hbm>>
        %dma_wait3A_1627 = arith.constant 0 : i32
        %dma_wait3A_1628 = tpu.memref_slice %arg2[%mul3A_354, %dma_wait3A_1627] : memref<262144x16xf32, #tpu.memory_space<hbm>> -> memref<4096x16xf32, #tpu.memory_space<hbm>>
        tpu.wait_dma2 semaphore(%run_scoped3A : memref<!tpu.dma_semaphore, #tpu.memory_space<semaphore_mem>>) src(%dma_wait3A_1628 : memref<4096x16xf32, #tpu.memory_space<hbm>>) dst(%arg7 : memref<4096x16xf32, #tpu.memory_space<vmem>>)
        tpu.yield
      }) : () -> ()
      %gather3A = tpu.vector_load_idx %arg7[%mul3A_5, %broadcast_in_dim3A_337] : memref<4096x16xf32, #tpu.memory_space<vmem>>[vector<16xi32>, vector<16xi32>], vector<16xf32>,
      %add3A_355 = arith.constant 4 : i32
      %add3A_356 = vector.broadcast %add3A_355 : i32 to vector<16xi32>
      %add3A_357 = arith.addi %mul3A_5, %add3A_356 : vector<16xi32>
      %gather3A_358 = tpu.vector_load_idx %arg7[%add3A_357, %broadcast_in_dim3A_337] : memref<4096x16xf32, #tpu.memory_space<vmem>>[vector<16xi32>, vector<16xi32>], vector<16xf32>,
      %sub3A = arith.subf %gather3A, %gather3A_358 : vector<16xf32>
      %abs3A = math.absf %sub3A : vector<16xf32>
      %lt3A = arith.constant 1.000000e-01 : f32
      %lt3A_359 = vector.broadcast %lt3A : f32 to vector<16xf32>
      %lt3A_360 = arith.cmpf olt, %abs3A, %lt3A_359 : vector<16xf32>
      %add3A_361 = arith.constant 0 : i32
      %add3A_362 = vector.broadcast %add3A_361 : i32 to vector<16xi32>
      %add3A_363 = arith.addi %mul3A_5, %add3A_362 : vector<16xi32>
      %broadcast_in_dim3A_364 = arith.constant 0 : i32
      %broadcast_in_dim3A_365 = vector.broadcast %broadcast_in_dim3A_364 : i32 to vector<16xi32>
      %gather3A_366 = tpu.vector_load_idx %arg7[%add3A_363, %broadcast_in_dim3A_365] : memref<4096x16xf32, #tpu.memory_space<vmem>>[vector<16xi32>, vector<16xi32>], vector<16xf32>,
      %get3A_367 = arith.constant 0 : index
      %get3A_368 = tpu.vector_load %arg9[%get3A_367] {strides = array<i32>} : memref<1024xi32, #tpu.memory_space<vmem>>, vector<16xi32>,
      %gt3A = arith.constant 0 : i32
      %gt3A_369 = vector.broadcast %gt3A : i32 to vector<16xi32>
      %gt3A_370 = arith.cmpi sgt, %get3A_368, %gt3A_369 : vector<16xi32>
      %gt3A_371 = arith.constant 8.000000e-01 : f32
      %gt3A_372 = vector.broadcast %gt3A_371 : f32 to vector<16xf32>
      %gt3A_373 = arith.cmpf ogt, %gather3A_366, %gt3A_372 : vector<16xf32>
      %eq3A = arith.xori %gt3A_373, %gt3A_370 : vector<16xi1>
      %eq3A_374 = arith.constant dense<true> : vector<16xi1>
      %eq3A_375 = arith.xori %eq3A, %eq3A_374 : vector<16xi1>
      %and3A = arith.andi %lt3A_360, %eq3A_375 : vector<16xi1>
      %add3A_376 = arith.constant 4 : i32
      %add3A_377 = vector.broadcast %add3A_376 : i32 to vector<16xi32>
      %add3A_378 = arith.addi %mul3A_5, %add3A_377 : vector<16xi32>
      %broadcast_in_dim3A_379 = arith.constant 1 : i32
      %broadcast_in_dim3A_380 = vector.broadcast %broadcast_in_dim3A_379 : i32 to vector<16xi32>
      %gather3A_381 = tpu.vector_load_idx %arg7[%add3A_378, %broadcast_in_dim3A_380] : memref<4096x16xf32, #tpu.memory_space<vmem>>[vector<16xi32>, vector<16xi32>], vector<16xf32>,
      %get3A_382 = arith.constant 16 : index
      %get3A_383 = tpu.vector_load %arg9[%get3A_382] {strides = array<i32>} : memref<1024xi32, #tpu.memory_space<vmem>>, vector<16xi32>,
      %gt3A_384 = arith.constant 0 : i32
      %gt3A_385 = vector.broadcast %gt3A_384 : i32 to vector<16xi32>
      %gt3A_386 = arith.cmpi sgt, %get3A_383, %gt3A_385 : vector<16xi32>
      %gt3A_387 = arith.constant 8.000000e-01 : f32
      %gt3A_388 = vector.broadcast %gt3A_387 : f32 to vector<16xf32>
      %gt3A_389 = arith.cmpf ogt, %gather3A_381, %gt3A_388 : vector<16xf32>
      %eq3A_390 = arith.xori %gt3A_389, %gt3A_386 : vector<16xi1>
      %eq3A_391 = arith.constant dense<true> : vector<16xi1>
      %eq3A_392 = arith.xori %eq3A_390, %eq3A_391 : vector<16xi1>
      %and3A_393 = arith.andi %and3A, %eq3A_392 : vector<16xi1>
      %add3A_394 = arith.constant 8 : i32
      %add3A_395 = vector.broadcast %add3A_394 : i32 to vector<16xi32>
      %add3A_396 = arith.addi %mul3A_5, %add3A_395 : vector<16xi32>
      %broadcast_in_dim3A_397 = arith.constant 2 : i32
      %broadcast_in_dim3A_398 = vector.broadcast %broadcast_in_dim3A_397 : i32 to vector<16xi32>
      %gather3A_399 = tpu.vector_load_idx %arg7[%add3A_396, %broadcast_in_dim3A_398] : memref<4096x16xf32, #tpu.memory_space<vmem>>[vector<16xi32>, vector<16xi32>], vector<16xf32>,
      %get3A_400 = arith.constant 32 : index
      %get3A_401 = tpu.vector_load %arg9[%get3A_400] {strides = array<i32>} : memref<1024xi32, #tpu.memory_space<vmem>>, vector<16xi32>,
      %gt3A_402 = arith.constant 0 : i32
      %gt3A_403 = vector.broadcast %gt3A_402 : i32 to vector<16xi32>
      %gt3A_404 = arith.cmpi sgt, %get3A_401, %gt3A_403 : vector<16xi32>
      %gt3A_405 = arith.constant 8.000000e-01 : f32
      %gt3A_406 = vector.broadcast %gt3A_405 : f32 to vector<16xf32>
      %gt3A_407 = arith.cmpf ogt, %gather3A_399, %gt3A_406 : vector<16xf32>
      %eq3A_408 = arith.xori %gt3A_407, %gt3A_404 : vector<16xi1>
      %eq3A_409 = arith.constant dense<true> : vector<16xi1>
      %eq3A_410 = arith.xori %eq3A_408, %eq3A_409 : vector<16xi1>
      %and3A_411 = arith.andi %and3A_393, %eq3A_410 : vector<16xi1>
      %add3A_412 = arith.constant 12 : i32
      %add3A_413 = vector.broadcast %add3A_412 : i32 to vector<16xi32>
      %add3A_414 = arith.addi %mul3A_5, %add3A_413 : vector<16xi32>
      %broadcast_in_dim3A_415 = arith.constant 3 : i32
      %broadcast_in_dim3A_416 = vector.broadcast %broadcast_in_dim3A_415 : i32 to vector<16xi32>
      %gather3A_417 = tpu.vector_load_idx %arg7[%add3A_414, %broadcast_in_dim3A_416] : memref<4096x16xf32, #tpu.memory_space<vmem>>[vector<16xi32>, vector<16xi32>], vector<16xf32>,
      %get3A_418 = arith.constant 48 : index
      %get3A_419 = tpu.vector_load %arg9[%get3A_418] {strides = array<i32>} : memref<1024xi32, #tpu.memory_space<vmem>>, vector<16xi32>,
      %gt3A_420 = arith.constant 0 : i32
      %gt3A_421 = vector.broadcast %gt3A_420 : i32 to vector<16xi32>
      %gt3A_422 = arith.cmpi sgt, %get3A_419, %gt3A_421 : vector<16xi32>
      %gt3A_423 = arith.constant 8.000000e-01 : f32
      %gt3A_424 = vector.broadcast %gt3A_423 : f32 to vector<16xf32>
      %gt3A_425 = arith.cmpf ogt, %gather3A_417, %gt3A_424 : vector<16xf32>
      %eq3A_426 = arith.xori %gt3A_425, %gt3A_422 : vector<16xi1>
      %eq3A_427 = arith.constant dense<true> : vector<16xi1>
      %eq3A_428 = arith.xori %eq3A_426, %eq3A_427 : vector<16xi1>
      %and3A_429 = arith.andi %and3A_411, %eq3A_428 : vector<16xi1>
      %add3A_430 = arith.constant 16 : i32
      %add3A_431 = vector.broadcast %add3A_430 : i32 to vector<16xi32>
      %add3A_432 = arith.addi %mul3A_5, %add3A_431 : vector<16xi32>
      %broadcast_in_dim3A_433 = arith.constant 4 : i32
      %broadcast_in_dim3A_434 = vector.broadcast %broadcast_in_dim3A_433 : i32 to vector<16xi32>
      %gather3A_435 = tpu.vector_load_idx %arg7[%add3A_432, %broadcast_in_dim3A_434] : memref<4096x16xf32, #tpu.memory_space<vmem>>[vector<16xi32>, vector<16xi32>], vector<16xf32>,
      %get3A_436 = arith.constant 64 : index
      %get3A_437 = tpu.vector_load %arg9[%get3A_436] {strides = array<i32>} : memref<1024xi32, #tpu.memory_space<vmem>>, vector<16xi32>,
      %gt3A_438 = arith.constant 0 : i32
      %gt3A_439 = vector.broadcast %gt3A_438 : i32 to vector<16xi32>
      %gt3A_440 = arith.cmpi sgt, %get3A_437, %gt3A_439 : vector<16xi32>
      %gt3A_441 = arith.constant 8.000000e-01 : f32
      %gt3A_442 = vector.broadcast %gt3A_441 : f32 to vector<16xf32>
      %gt3A_443 = arith.cmpf ogt, %gather3A_435, %gt3A_442 : vector<16xf32>
      %eq3A_444 = arith.xori %gt3A_443, %gt3A_440 : vector<16xi1>
      %eq3A_445 = arith.constant dense<true> : vector<16xi1>
      %eq3A_446 = arith.xori %eq3A_444, %eq3A_445 : vector<16xi1>
      %and3A_447 = arith.andi %and3A_429, %eq3A_446 : vector<16xi1>
      %add3A_448 = arith.constant 20 : i32
      %add3A_449 = vector.broadcast %add3A_448 : i32 to vector<16xi32>
      %add3A_450 = arith.addi %mul3A_5, %add3A_449 : vector<16xi32>
      %broadcast_in_dim3A_451 = arith.constant 5 : i32
      %broadcast_in_dim3A_452 = vector.broadcast %broadcast_in_dim3A_451 : i32 to vector<16xi32>
      %gather3A_453 = tpu.vector_load_idx %arg7[%add3A_450, %broadcast_in_dim3A_452] : memref<4096x16xf32, #tpu.memory_space<vmem>>[vector<16xi32>, vector<16xi32>], vector<16xf32>,
      %get3A_454 = arith.constant 80 : index
      %get3A_455 = tpu.vector_load %arg9[%get3A_454] {strides = array<i32>} : memref<1024xi32, #tpu.memory_space<vmem>>, vector<16xi32>,
      %gt3A_456 = arith.constant 0 : i32
      %gt3A_457 = vector.broadcast %gt3A_456 : i32 to vector<16xi32>
      %gt3A_458 = arith.cmpi sgt, %get3A_455, %gt3A_457 : vector<16xi32>
      %gt3A_459 = arith.constant 8.000000e-01 : f32
      %gt3A_460 = vector.broadcast %gt3A_459 : f32 to vector<16xf32>
      %gt3A_461 = arith.cmpf ogt, %gather3A_453, %gt3A_460 : vector<16xf32>
      %eq3A_462 = arith.xori %gt3A_461, %gt3A_458 : vector<16xi1>
      %eq3A_463 = arith.constant dense<true> : vector<16xi1>
      %eq3A_464 = arith.xori %eq3A_462, %eq3A_463 : vector<16xi1>
      %and3A_465 = arith.andi %and3A_447, %eq3A_464 : vector<16xi1>
      %add3A_466 = arith.constant 24 : i32
      %add3A_467 = vector.broadcast %add3A_466 : i32 to vector<16xi32>
      %add3A_468 = arith.addi %mul3A_5, %add3A_467 : vector<16xi32>
      %broadcast_in_dim3A_469 = arith.constant 6 : i32
      %broadcast_in_dim3A_470 = vector.broadcast %broadcast_in_dim3A_469 : i32 to vector<16xi32>
      %gather3A_471 = tpu.vector_load_idx %arg7[%add3A_468, %broadcast_in_dim3A_470] : memref<4096x16xf32, #tpu.memory_space<vmem>>[vector<16xi32>, vector<16xi32>], vector<16xf32>,
      %get3A_472 = arith.constant 96 : index
      %get3A_473 = tpu.vector_load %arg9[%get3A_472] {strides = array<i32>} : memref<1024xi32, #tpu.memory_space<vmem>>, vector<16xi32>,
      %gt3A_474 = arith.constant 0 : i32
      %gt3A_475 = vector.broadcast %gt3A_474 : i32 to vector<16xi32>
      %gt3A_476 = arith.cmpi sgt, %get3A_473, %gt3A_475 : vector<16xi32>
      %gt3A_477 = arith.constant 8.000000e-01 : f32
      %gt3A_478 = vector.broadcast %gt3A_477 : f32 to vector<16xf32>
      %gt3A_479 = arith.cmpf ogt, %gather3A_471, %gt3A_478 : vector<16xf32>
      %eq3A_480 = arith.xori %gt3A_479, %gt3A_476 : vector<16xi1>
      %eq3A_481 = arith.constant dense<true> : vector<16xi1>
      %eq3A_482 = arith.xori %eq3A_480, %eq3A_481 : vector<16xi1>
      %and3A_483 = arith.andi %and3A_465, %eq3A_482 : vector<16xi1>
      %add3A_484 = arith.constant 28 : i32
      %add3A_485 = vector.broadcast %add3A_484 : i32 to vector<16xi32>
      %add3A_486 = arith.addi %mul3A_5, %add3A_485 : vector<16xi32>
      %broadcast_in_dim3A_487 = arith.constant 7 : i32
      %broadcast_in_dim3A_488 = vector.broadcast %broadcast_in_dim3A_487 : i32 to vector<16xi32>
      %gather3A_489 = tpu.vector_load_idx %arg7[%add3A_486, %broadcast_in_dim3A_488] : memref<4096x16xf32, #tpu.memory_space<vmem>>[vector<16xi32>, vector<16xi32>], vector<16xf32>,
      %get3A_490 = arith.constant 112 : index
      %get3A_491 = tpu.vector_load %arg9[%get3A_490] {strides = array<i32>} : memref<1024xi32, #tpu.memory_space<vmem>>, vector<16xi32>,
      %gt3A_492 = arith.constant 0 : i32
      %gt3A_493 = vector.broadcast %gt3A_492 : i32 to vector<16xi32>
      %gt3A_494 = arith.cmpi sgt, %get3A_491, %gt3A_493 : vector<16xi32>
      %gt3A_495 = arith.constant 8.000000e-01 : f32
      %gt3A_496 = vector.broadcast %gt3A_495 : f32 to vector<16xf32>
      %gt3A_497 = arith.cmpf ogt, %gather3A_489, %gt3A_496 : vector<16xf32>
      %eq3A_498 = arith.xori %gt3A_497, %gt3A_494 : vector<16xi1>
      %eq3A_499 = arith.constant dense<true> : vector<16xi1>
      %eq3A_500 = arith.xori %eq3A_498, %eq3A_499 : vector<16xi1>
      %and3A_501 = arith.andi %and3A_483, %eq3A_500 : vector<16xi1>
      %add3A_502 = arith.constant 32 : i32
      %add3A_503 = vector.broadcast %add3A_502 : i32 to vector<16xi32>
      %add3A_504 = arith.addi %mul3A_5, %add3A_503 : vector<16xi32>
      %broadcast_in_dim3A_505 = arith.constant 8 : i32
      %broadcast_in_dim3A_506 = vector.broadcast %broadcast_in_dim3A_505 : i32 to vector<16xi32>
      %gather3A_507 = tpu.vector_load_idx %arg7[%add3A_504, %broadcast_in_dim3A_506] : memref<4096x16xf32, #tpu.memory_space<vmem>>[vector<16xi32>, vector<16xi32>], vector<16xf32>,
      %get3A_508 = arith.constant 128 : index
      %get3A_509 = tpu.vector_load %arg9[%get3A_508] {strides = array<i32>} : memref<1024xi32, #tpu.memory_space<vmem>>, vector<16xi32>,
      %gt3A_510 = arith.constant 0 : i32
      %gt3A_511 = vector.broadcast %gt3A_510 : i32 to vector<16xi32>
      %gt3A_512 = arith.cmpi sgt, %get3A_509, %gt3A_511 : vector<16xi32>
      %gt3A_513 = arith.constant 8.000000e-01 : f32
      %gt3A_514 = vector.broadcast %gt3A_513 : f32 to vector<16xf32>
      %gt3A_515 = arith.cmpf ogt, %gather3A_507, %gt3A_514 : vector<16xf32>
      %eq3A_516 = arith.xori %gt3A_515, %gt3A_512 : vector<16xi1>
      %eq3A_517 = arith.constant dense<true> : vector<16xi1>
      %eq3A_518 = arith.xori %eq3A_516, %eq3A_517 : vector<16xi1>
      %and3A_519 = arith.andi %and3A_501, %eq3A_518 : vector<16xi1>
      %add3A_520 = arith.constant 36 : i32
      %add3A_521 = vector.broadcast %add3A_520 : i32 to vector<16xi32>
      %add3A_522 = arith.addi %mul3A_5, %add3A_521 : vector<16xi32>
      %broadcast_in_dim3A_523 = arith.constant 9 : i32
      %broadcast_in_dim3A_524 = vector.broadcast %broadcast_in_dim3A_523 : i32 to vector<16xi32>
      %gather3A_525 = tpu.vector_load_idx %arg7[%add3A_522, %broadcast_in_dim3A_524] : memref<4096x16xf32, #tpu.memory_space<vmem>>[vector<16xi32>, vector<16xi32>], vector<16xf32>,
      %get3A_526 = arith.constant 144 : index
      %get3A_527 = tpu.vector_load %arg9[%get3A_526] {strides = array<i32>} : memref<1024xi32, #tpu.memory_space<vmem>>, vector<16xi32>,
      %gt3A_528 = arith.constant 0 : i32
      %gt3A_529 = vector.broadcast %gt3A_528 : i32 to vector<16xi32>
      %gt3A_530 = arith.cmpi sgt, %get3A_527, %gt3A_529 : vector<16xi32>
      %gt3A_531 = arith.constant 8.000000e-01 : f32
      %gt3A_532 = vector.broadcast %gt3A_531 : f32 to vector<16xf32>
      %gt3A_533 = arith.cmpf ogt, %gather3A_525, %gt3A_532 : vector<16xf32>
      %eq3A_534 = arith.xori %gt3A_533, %gt3A_530 : vector<16xi1>
      %eq3A_535 = arith.constant dense<true> : vector<16xi1>
      %eq3A_536 = arith.xori %eq3A_534, %eq3A_535 : vector<16xi1>
      %and3A_537 = arith.andi %and3A_519, %eq3A_536 : vector<16xi1>
      %add3A_538 = arith.constant 40 : i32
      %add3A_539 = vector.broadcast %add3A_538 : i32 to vector<16xi32>
      %add3A_540 = arith.addi %mul3A_5, %add3A_539 : vector<16xi32>
      %broadcast_in_dim3A_541 = arith.constant 10 : i32
      %broadcast_in_dim3A_542 = vector.broadcast %broadcast_in_dim3A_541 : i32 to vector<16xi32>
      %gather3A_543 = tpu.vector_load_idx %arg7[%add3A_540, %broadcast_in_dim3A_542] : memref<4096x16xf32, #tpu.memory_space<vmem>>[vector<16xi32>, vector<16xi32>], vector<16xf32>,
      %get3A_544 = arith.constant 160 : index
      %get3A_545 = tpu.vector_load %arg9[%get3A_544] {strides = array<i32>} : memref<1024xi32, #tpu.memory_space<vmem>>, vector<16xi32>,
      %gt3A_546 = arith.constant 0 : i32
      %gt3A_547 = vector.broadcast %gt3A_546 : i32 to vector<16xi32>
      %gt3A_548 = arith.cmpi sgt, %get3A_545, %gt3A_547 : vector<16xi32>
      %gt3A_549 = arith.constant 8.000000e-01 : f32
      %gt3A_550 = vector.broadcast %gt3A_549 : f32 to vector<16xf32>
      %gt3A_551 = arith.cmpf ogt, %gather3A_543, %gt3A_550 : vector<16xf32>
      %eq3A_552 = arith.xori %gt3A_551, %gt3A_548 : vector<16xi1>
      %eq3A_553 = arith.constant dense<true> : vector<16xi1>
      %eq3A_554 = arith.xori %eq3A_552, %eq3A_553 : vector<16xi1>
      %and3A_555 = arith.andi %and3A_537, %eq3A_554 : vector<16xi1>
      %add3A_556 = arith.constant 44 : i32
      %add3A_557 = vector.broadcast %add3A_556 : i32 to vector<16xi32>
      %add3A_558 = arith.addi %mul3A_5, %add3A_557 : vector<16xi32>
      %broadcast_in_dim3A_559 = arith.constant 11 : i32
      %broadcast_in_dim3A_560 = vector.broadcast %broadcast_in_dim3A_559 : i32 to vector<16xi32>
      %gather3A_561 = tpu.vector_load_idx %arg7[%add3A_558, %broadcast_in_dim3A_560] : memref<4096x16xf32, #tpu.memory_space<vmem>>[vector<16xi32>, vector<16xi32>], vector<16xf32>,
      %get3A_562 = arith.constant 176 : index
      %get3A_563 = tpu.vector_load %arg9[%get3A_562] {strides = array<i32>} : memref<1024xi32, #tpu.memory_space<vmem>>, vector<16xi32>,
      %gt3A_564 = arith.constant 0 : i32
      %gt3A_565 = vector.broadcast %gt3A_564 : i32 to vector<16xi32>
      %gt3A_566 = arith.cmpi sgt, %get3A_563, %gt3A_565 : vector<16xi32>
      %gt3A_567 = arith.constant 8.000000e-01 : f32
      %gt3A_568 = vector.broadcast %gt3A_567 : f32 to vector<16xf32>
      %gt3A_569 = arith.cmpf ogt, %gather3A_561, %gt3A_568 : vector<16xf32>
      %eq3A_570 = arith.xori %gt3A_569, %gt3A_566 : vector<16xi1>
      %eq3A_571 = arith.constant dense<true> : vector<16xi1>
      %eq3A_572 = arith.xori %eq3A_570, %eq3A_571 : vector<16xi1>
      %and3A_573 = arith.andi %and3A_555, %eq3A_572 : vector<16xi1>
      %add3A_574 = arith.constant 48 : i32
      %add3A_575 = vector.broadcast %add3A_574 : i32 to vector<16xi32>
      %add3A_576 = arith.addi %mul3A_5, %add3A_575 : vector<16xi32>
      %broadcast_in_dim3A_577 = arith.constant 12 : i32
      %broadcast_in_dim3A_578 = vector.broadcast %broadcast_in_dim3A_577 : i32 to vector<16xi32>
      %gather3A_579 = tpu.vector_load_idx %arg7[%add3A_576, %broadcast_in_dim3A_578] : memref<4096x16xf32, #tpu.memory_space<vmem>>[vector<16xi32>, vector<16xi32>], vector<16xf32>,
      %get3A_580 = arith.constant 192 : index
      %get3A_581 = tpu.vector_load %arg9[%get3A_580] {strides = array<i32>} : memref<1024xi32, #tpu.memory_space<vmem>>, vector<16xi32>,
      %gt3A_582 = arith.constant 0 : i32
      %gt3A_583 = vector.broadcast %gt3A_582 : i32 to vector<16xi32>
      %gt3A_584 = arith.cmpi sgt, %get3A_581, %gt3A_583 : vector<16xi32>
      %gt3A_585 = arith.constant 8.000000e-01 : f32
      %gt3A_586 = vector.broadcast %gt3A_585 : f32 to vector<16xf32>
      %gt3A_587 = arith.cmpf ogt, %gather3A_579, %gt3A_586 : vector<16xf32>
      %eq3A_588 = arith.xori %gt3A_587, %gt3A_584 : vector<16xi1>
      %eq3A_589 = arith.constant dense<true> : vector<16xi1>
      %eq3A_590 = arith.xori %eq3A_588, %eq3A_589 : vector<16xi1>
      %and3A_591 = arith.andi %and3A_573, %eq3A_590 : vector<16xi1>
      %add3A_592 = arith.constant 52 : i32
      %add3A_593 = vector.broadcast %add3A_592 : i32 to vector<16xi32>
      %add3A_594 = arith.addi %mul3A_5, %add3A_593 : vector<16xi32>
      %broadcast_in_dim3A_595 = arith.constant 13 : i32
      %broadcast_in_dim3A_596 = vector.broadcast %broadcast_in_dim3A_595 : i32 to vector<16xi32>
      %gather3A_597 = tpu.vector_load_idx %arg7[%add3A_594, %broadcast_in_dim3A_596] : memref<4096x16xf32, #tpu.memory_space<vmem>>[vector<16xi32>, vector<16xi32>], vector<16xf32>,
      %get3A_598 = arith.constant 208 : index
      %get3A_599 = tpu.vector_load %arg9[%get3A_598] {strides = array<i32>} : memref<1024xi32, #tpu.memory_space<vmem>>, vector<16xi32>,
      %gt3A_600 = arith.constant 0 : i32
      %gt3A_601 = vector.broadcast %gt3A_600 : i32 to vector<16xi32>
      %gt3A_602 = arith.cmpi sgt, %get3A_599, %gt3A_601 : vector<16xi32>
      %gt3A_603 = arith.constant 8.000000e-01 : f32
      %gt3A_604 = vector.broadcast %gt3A_603 : f32 to vector<16xf32>
      %gt3A_605 = arith.cmpf ogt, %gather3A_597, %gt3A_604 : vector<16xf32>
      %eq3A_606 = arith.xori %gt3A_605, %gt3A_602 : vector<16xi1>
      %eq3A_607 = arith.constant dense<true> : vector<16xi1>
      %eq3A_608 = arith.xori %eq3A_606, %eq3A_607 : vector<16xi1>
      %and3A_609 = arith.andi %and3A_591, %eq3A_608 : vector<16xi1>
      %add3A_610 = arith.constant 56 : i32
      %add3A_611 = vector.broadcast %add3A_610 : i32 to vector<16xi32>
      %add3A_612 = arith.addi %mul3A_5, %add3A_611 : vector<16xi32>
      %broadcast_in_dim3A_613 = arith.constant 14 : i32
      %broadcast_in_dim3A_614 = vector.broadcast %broadcast_in_dim3A_613 : i32 to vector<16xi32>
      %gather3A_615 = tpu.vector_load_idx %arg7[%add3A_612, %broadcast_in_dim3A_614] : memref<4096x16xf32, #tpu.memory_space<vmem>>[vector<16xi32>, vector<16xi32>], vector<16xf32>,
      %get3A_616 = arith.constant 224 : index
      %get3A_617 = tpu.vector_load %arg9[%get3A_616] {strides = array<i32>} : memref<1024xi32, #tpu.memory_space<vmem>>, vector<16xi32>,
      %gt3A_618 = arith.constant 0 : i32
      %gt3A_619 = vector.broadcast %gt3A_618 : i32 to vector<16xi32>
      %gt3A_620 = arith.cmpi sgt, %get3A_617, %gt3A_619 : vector<16xi32>
      %gt3A_621 = arith.constant 8.000000e-01 : f32
      %gt3A_622 = vector.broadcast %gt3A_621 : f32 to vector<16xf32>
      %gt3A_623 = arith.cmpf ogt, %gather3A_615, %gt3A_622 : vector<16xf32>
      %eq3A_624 = arith.xori %gt3A_623, %gt3A_620 : vector<16xi1>
      %eq3A_625 = arith.constant dense<true> : vector<16xi1>
      %eq3A_626 = arith.xori %eq3A_624, %eq3A_625 : vector<16xi1>
      %and3A_627 = arith.andi %and3A_609, %eq3A_626 : vector<16xi1>
      %add3A_628 = arith.constant 60 : i32
      %add3A_629 = vector.broadcast %add3A_628 : i32 to vector<16xi32>
      %add3A_630 = arith.addi %mul3A_5, %add3A_629 : vector<16xi32>
      %broadcast_in_dim3A_631 = arith.constant 15 : i32
      %broadcast_in_dim3A_632 = vector.broadcast %broadcast_in_dim3A_631 : i32 to vector<16xi32>
      %gather3A_633 = tpu.vector_load_idx %arg7[%add3A_630, %broadcast_in_dim3A_632] : memref<4096x16xf32, #tpu.memory_space<vmem>>[vector<16xi32>, vector<16xi32>], vector<16xf32>,
      %get3A_634 = arith.constant 240 : index
      %get3A_635 = tpu.vector_load %arg9[%get3A_634] {strides = array<i32>} : memref<1024xi32, #tpu.memory_space<vmem>>, vector<16xi32>,
      %gt3A_636 = arith.constant 0 : i32
      %gt3A_637 = vector.broadcast %gt3A_636 : i32 to vector<16xi32>
      %gt3A_638 = arith.cmpi sgt, %get3A_635, %gt3A_637 : vector<16xi32>
      %gt3A_639 = arith.constant 8.000000e-01 : f32
      %gt3A_640 = vector.broadcast %gt3A_639 : f32 to vector<16xf32>
      %gt3A_641 = arith.cmpf ogt, %gather3A_633, %gt3A_640 : vector<16xf32>
      %eq3A_642 = arith.xori %gt3A_641, %gt3A_638 : vector<16xi1>
      %eq3A_643 = arith.constant dense<true> : vector<16xi1>
      %eq3A_644 = arith.xori %eq3A_642, %eq3A_643 : vector<16xi1>
      %and3A_645 = arith.andi %and3A_627, %eq3A_644 : vector<16xi1>
      %add3A_646 = arith.constant 65 : i32
      %add3A_647 = vector.broadcast %add3A_646 : i32 to vector<16xi32>
      %add3A_648 = arith.addi %mul3A_5, %add3A_647 : vector<16xi32>
      %broadcast_in_dim3A_649 = arith.constant 0 : i32
      %broadcast_in_dim3A_650 = vector.broadcast %broadcast_in_dim3A_649 : i32 to vector<16xi32>
      %gather3A_651 = tpu.vector_load_idx %arg7[%add3A_648, %broadcast_in_dim3A_650] : memref<4096x16xf32, #tpu.memory_space<vmem>>[vector<16xi32>, vector<16xi32>], vector<16xf32>,
      %get3A_652 = arith.constant 256 : index
      %get3A_653 = tpu.vector_load %arg9[%get3A_652] {strides = array<i32>} : memref<1024xi32, #tpu.memory_space<vmem>>, vector<16xi32>,
      %gt3A_654 = arith.constant 0 : i32
      %gt3A_655 = vector.broadcast %gt3A_654 : i32 to vector<16xi32>
      %gt3A_656 = arith.cmpi sgt, %get3A_653, %gt3A_655 : vector<16xi32>
      %gt3A_657 = arith.constant 8.000000e-01 : f32
      %gt3A_658 = vector.broadcast %gt3A_657 : f32 to vector<16xf32>
      %gt3A_659 = arith.cmpf ogt, %gather3A_651, %gt3A_658 : vector<16xf32>
      %eq3A_660 = arith.xori %gt3A_659, %gt3A_656 : vector<16xi1>
      %eq3A_661 = arith.constant dense<true> : vector<16xi1>
      %eq3A_662 = arith.xori %eq3A_660, %eq3A_661 : vector<16xi1>
      %and3A_663 = arith.andi %and3A_645, %eq3A_662 : vector<16xi1>
      %add3A_664 = arith.constant 69 : i32
      %add3A_665 = vector.broadcast %add3A_664 : i32 to vector<16xi32>
      %add3A_666 = arith.addi %mul3A_5, %add3A_665 : vector<16xi32>
      %broadcast_in_dim3A_667 = arith.constant 1 : i32
      %broadcast_in_dim3A_668 = vector.broadcast %broadcast_in_dim3A_667 : i32 to vector<16xi32>
      %gather3A_669 = tpu.vector_load_idx %arg7[%add3A_666, %broadcast_in_dim3A_668] : memref<4096x16xf32, #tpu.memory_space<vmem>>[vector<16xi32>, vector<16xi32>], vector<16xf32>,
      %get3A_670 = arith.constant 272 : index
      %get3A_671 = tpu.vector_load %arg9[%get3A_670] {strides = array<i32>} : memref<1024xi32, #tpu.memory_space<vmem>>, vector<16xi32>,
      %gt3A_672 = arith.constant 0 : i32
      %gt3A_673 = vector.broadcast %gt3A_672 : i32 to vector<16xi32>
      %gt3A_674 = arith.cmpi sgt, %get3A_671, %gt3A_673 : vector<16xi32>
      %gt3A_675 = arith.constant 8.000000e-01 : f32
      %gt3A_676 = vector.broadcast %gt3A_675 : f32 to vector<16xf32>
      %gt3A_677 = arith.cmpf ogt, %gather3A_669, %gt3A_676 : vector<16xf32>
      %eq3A_678 = arith.xori %gt3A_677, %gt3A_674 : vector<16xi1>
      %eq3A_679 = arith.constant dense<true> : vector<16xi1>
      %eq3A_680 = arith.xori %eq3A_678, %eq3A_679 : vector<16xi1>
      %and3A_681 = arith.andi %and3A_663, %eq3A_680 : vector<16xi1>
      %add3A_682 = arith.constant 73 : i32
      %add3A_683 = vector.broadcast %add3A_682 : i32 to vector<16xi32>
      %add3A_684 = arith.addi %mul3A_5, %add3A_683 : vector<16xi32>
      %broadcast_in_dim3A_685 = arith.constant 2 : i32
      %broadcast_in_dim3A_686 = vector.broadcast %broadcast_in_dim3A_685 : i32 to vector<16xi32>
      %gather3A_687 = tpu.vector_load_idx %arg7[%add3A_684, %broadcast_in_dim3A_686] : memref<4096x16xf32, #tpu.memory_space<vmem>>[vector<16xi32>, vector<16xi32>], vector<16xf32>,
      %get3A_688 = arith.constant 288 : index
      %get3A_689 = tpu.vector_load %arg9[%get3A_688] {strides = array<i32>} : memref<1024xi32, #tpu.memory_space<vmem>>, vector<16xi32>,
      %gt3A_690 = arith.constant 0 : i32
      %gt3A_691 = vector.broadcast %gt3A_690 : i32 to vector<16xi32>
      %gt3A_692 = arith.cmpi sgt, %get3A_689, %gt3A_691 : vector<16xi32>
      %gt3A_693 = arith.constant 8.000000e-01 : f32
      %gt3A_694 = vector.broadcast %gt3A_693 : f32 to vector<16xf32>
      %gt3A_695 = arith.cmpf ogt, %gather3A_687, %gt3A_694 : vector<16xf32>
      %eq3A_696 = arith.xori %gt3A_695, %gt3A_692 : vector<16xi1>
      %eq3A_697 = arith.constant dense<true> : vector<16xi1>
      %eq3A_698 = arith.xori %eq3A_696, %eq3A_697 : vector<16xi1>
      %and3A_699 = arith.andi %and3A_681, %eq3A_698 : vector<16xi1>
      %add3A_700 = arith.constant 77 : i32
      %add3A_701 = vector.broadcast %add3A_700 : i32 to vector<16xi32>
      %add3A_702 = arith.addi %mul3A_5, %add3A_701 : vector<16xi32>
      %broadcast_in_dim3A_703 = arith.constant 3 : i32
      %broadcast_in_dim3A_704 = vector.broadcast %broadcast_in_dim3A_703 : i32 to vector<16xi32>
      %gather3A_705 = tpu.vector_load_idx %arg7[%add3A_702, %broadcast_in_dim3A_704] : memref<4096x16xf32, #tpu.memory_space<vmem>>[vector<16xi32>, vector<16xi32>], vector<16xf32>,
      %get3A_706 = arith.constant 304 : index
      %get3A_707 = tpu.vector_load %arg9[%get3A_706] {strides = array<i32>} : memref<1024xi32, #tpu.memory_space<vmem>>, vector<16xi32>,
      %gt3A_708 = arith.constant 0 : i32
      %gt3A_709 = vector.broadcast %gt3A_708 : i32 to vector<16xi32>
      %gt3A_710 = arith.cmpi sgt, %get3A_707, %gt3A_709 : vector<16xi32>
      %gt3A_711 = arith.constant 8.000000e-01 : f32
      %gt3A_712 = vector.broadcast %gt3A_711 : f32 to vector<16xf32>
      %gt3A_713 = arith.cmpf ogt, %gather3A_705, %gt3A_712 : vector<16xf32>
      %eq3A_714 = arith.xori %gt3A_713, %gt3A_710 : vector<16xi1>
      %eq3A_715 = arith.constant dense<true> : vector<16xi1>
      %eq3A_716 = arith.xori %eq3A_714, %eq3A_715 : vector<16xi1>
      %and3A_717 = arith.andi %and3A_699, %eq3A_716 : vector<16xi1>
      %add3A_718 = arith.constant 81 : i32
      %add3A_719 = vector.broadcast %add3A_718 : i32 to vector<16xi32>
      %add3A_720 = arith.addi %mul3A_5, %add3A_719 : vector<16xi32>
      %broadcast_in_dim3A_721 = arith.constant 4 : i32
      %broadcast_in_dim3A_722 = vector.broadcast %broadcast_in_dim3A_721 : i32 to vector<16xi32>
      %gather3A_723 = tpu.vector_load_idx %arg7[%add3A_720, %broadcast_in_dim3A_722] : memref<4096x16xf32, #tpu.memory_space<vmem>>[vector<16xi32>, vector<16xi32>], vector<16xf32>,
      %get3A_724 = arith.constant 320 : index
      %get3A_725 = tpu.vector_load %arg9[%get3A_724] {strides = array<i32>} : memref<1024xi32, #tpu.memory_space<vmem>>, vector<16xi32>,
      %gt3A_726 = arith.constant 0 : i32
      %gt3A_727 = vector.broadcast %gt3A_726 : i32 to vector<16xi32>
      %gt3A_728 = arith.cmpi sgt, %get3A_725, %gt3A_727 : vector<16xi32>
      %gt3A_729 = arith.constant 8.000000e-01 : f32
      %gt3A_730 = vector.broadcast %gt3A_729 : f32 to vector<16xf32>
      %gt3A_731 = arith.cmpf ogt, %gather3A_723, %gt3A_730 : vector<16xf32>
      %eq3A_732 = arith.xori %gt3A_731, %gt3A_728 : vector<16xi1>
      %eq3A_733 = arith.constant dense<true> : vector<16xi1>
      %eq3A_734 = arith.xori %eq3A_732, %eq3A_733 : vector<16xi1>
      %and3A_735 = arith.andi %and3A_717, %eq3A_734 : vector<16xi1>
      %add3A_736 = arith.constant 85 : i32
      %add3A_737 = vector.broadcast %add3A_736 : i32 to vector<16xi32>
      %add3A_738 = arith.addi %mul3A_5, %add3A_737 : vector<16xi32>
      %broadcast_in_dim3A_739 = arith.constant 5 : i32
      %broadcast_in_dim3A_740 = vector.broadcast %broadcast_in_dim3A_739 : i32 to vector<16xi32>
      %gather3A_741 = tpu.vector_load_idx %arg7[%add3A_738, %broadcast_in_dim3A_740] : memref<4096x16xf32, #tpu.memory_space<vmem>>[vector<16xi32>, vector<16xi32>], vector<16xf32>,
      %get3A_742 = arith.constant 336 : index
      %get3A_743 = tpu.vector_load %arg9[%get3A_742] {strides = array<i32>} : memref<1024xi32, #tpu.memory_space<vmem>>, vector<16xi32>,
      %gt3A_744 = arith.constant 0 : i32
      %gt3A_745 = vector.broadcast %gt3A_744 : i32 to vector<16xi32>
      %gt3A_746 = arith.cmpi sgt, %get3A_743, %gt3A_745 : vector<16xi32>
      %gt3A_747 = arith.constant 8.000000e-01 : f32
      %gt3A_748 = vector.broadcast %gt3A_747 : f32 to vector<16xf32>
      %gt3A_749 = arith.cmpf ogt, %gather3A_741, %gt3A_748 : vector<16xf32>
      %eq3A_750 = arith.xori %gt3A_749, %gt3A_746 : vector<16xi1>
      %eq3A_751 = arith.constant dense<true> : vector<16xi1>
      %eq3A_752 = arith.xori %eq3A_750, %eq3A_751 : vector<16xi1>
      %and3A_753 = arith.andi %and3A_735, %eq3A_752 : vector<16xi1>
      %add3A_754 = arith.constant 89 : i32
      %add3A_755 = vector.broadcast %add3A_754 : i32 to vector<16xi32>
      %add3A_756 = arith.addi %mul3A_5, %add3A_755 : vector<16xi32>
      %broadcast_in_dim3A_757 = arith.constant 6 : i32
      %broadcast_in_dim3A_758 = vector.broadcast %broadcast_in_dim3A_757 : i32 to vector<16xi32>
      %gather3A_759 = tpu.vector_load_idx %arg7[%add3A_756, %broadcast_in_dim3A_758] : memref<4096x16xf32, #tpu.memory_space<vmem>>[vector<16xi32>, vector<16xi32>], vector<16xf32>,
      %get3A_760 = arith.constant 352 : index
      %get3A_761 = tpu.vector_load %arg9[%get3A_760] {strides = array<i32>} : memref<1024xi32, #tpu.memory_space<vmem>>, vector<16xi32>,
      %gt3A_762 = arith.constant 0 : i32
      %gt3A_763 = vector.broadcast %gt3A_762 : i32 to vector<16xi32>
      %gt3A_764 = arith.cmpi sgt, %get3A_761, %gt3A_763 : vector<16xi32>
      %gt3A_765 = arith.constant 8.000000e-01 : f32
      %gt3A_766 = vector.broadcast %gt3A_765 : f32 to vector<16xf32>
      %gt3A_767 = arith.cmpf ogt, %gather3A_759, %gt3A_766 : vector<16xf32>
      %eq3A_768 = arith.xori %gt3A_767, %gt3A_764 : vector<16xi1>
      %eq3A_769 = arith.constant dense<true> : vector<16xi1>
      %eq3A_770 = arith.xori %eq3A_768, %eq3A_769 : vector<16xi1>
      %and3A_771 = arith.andi %and3A_753, %eq3A_770 : vector<16xi1>
      %add3A_772 = arith.constant 93 : i32
      %add3A_773 = vector.broadcast %add3A_772 : i32 to vector<16xi32>
      %add3A_774 = arith.addi %mul3A_5, %add3A_773 : vector<16xi32>
      %broadcast_in_dim3A_775 = arith.constant 7 : i32
      %broadcast_in_dim3A_776 = vector.broadcast %broadcast_in_dim3A_775 : i32 to vector<16xi32>
      %gather3A_777 = tpu.vector_load_idx %arg7[%add3A_774, %broadcast_in_dim3A_776] : memref<4096x16xf32, #tpu.memory_space<vmem>>[vector<16xi32>, vector<16xi32>], vector<16xf32>,
      %get3A_778 = arith.constant 368 : index
      %get3A_779 = tpu.vector_load %arg9[%get3A_778] {strides = array<i32>} : memref<1024xi32, #tpu.memory_space<vmem>>, vector<16xi32>,
      %gt3A_780 = arith.constant 0 : i32
      %gt3A_781 = vector.broadcast %gt3A_780 : i32 to vector<16xi32>
      %gt3A_782 = arith.cmpi sgt, %get3A_779, %gt3A_781 : vector<16xi32>
      %gt3A_783 = arith.constant 8.000000e-01 : f32
      %gt3A_784 = vector.broadcast %gt3A_783 : f32 to vector<16xf32>
      %gt3A_785 = arith.cmpf ogt, %gather3A_777, %gt3A_784 : vector<16xf32>
      %eq3A_786 = arith.xori %gt3A_785, %gt3A_782 : vector<16xi1>
      %eq3A_787 = arith.constant dense<true> : vector<16xi1>
      %eq3A_788 = arith.xori %eq3A_786, %eq3A_787 : vector<16xi1>
      %and3A_789 = arith.andi %and3A_771, %eq3A_788 : vector<16xi1>
      %add3A_790 = arith.constant 97 : i32
      %add3A_791 = vector.broadcast %add3A_790 : i32 to vector<16xi32>
      %add3A_792 = arith.addi %mul3A_5, %add3A_791 : vector<16xi32>
      %broadcast_in_dim3A_793 = arith.constant 8 : i32
      %broadcast_in_dim3A_794 = vector.broadcast %broadcast_in_dim3A_793 : i32 to vector<16xi32>
      %gather3A_795 = tpu.vector_load_idx %arg7[%add3A_792, %broadcast_in_dim3A_794] : memref<4096x16xf32, #tpu.memory_space<vmem>>[vector<16xi32>, vector<16xi32>], vector<16xf32>,
      %get3A_796 = arith.constant 384 : index
      %get3A_797 = tpu.vector_load %arg9[%get3A_796] {strides = array<i32>} : memref<1024xi32, #tpu.memory_space<vmem>>, vector<16xi32>,
      %gt3A_798 = arith.constant 0 : i32
      %gt3A_799 = vector.broadcast %gt3A_798 : i32 to vector<16xi32>
      %gt3A_800 = arith.cmpi sgt, %get3A_797, %gt3A_799 : vector<16xi32>
      %gt3A_801 = arith.constant 8.000000e-01 : f32
      %gt3A_802 = vector.broadcast %gt3A_801 : f32 to vector<16xf32>
      %gt3A_803 = arith.cmpf ogt, %gather3A_795, %gt3A_802 : vector<16xf32>
      %eq3A_804 = arith.xori %gt3A_803, %gt3A_800 : vector<16xi1>
      %eq3A_805 = arith.constant dense<true> : vector<16xi1>
      %eq3A_806 = arith.xori %eq3A_804, %eq3A_805 : vector<16xi1>
      %and3A_807 = arith.andi %and3A_789, %eq3A_806 : vector<16xi1>
      %add3A_808 = arith.constant 101 : i32
      %add3A_809 = vector.broadcast %add3A_808 : i32 to vector<16xi32>
      %add3A_810 = arith.addi %mul3A_5, %add3A_809 : vector<16xi32>
      %broadcast_in_dim3A_811 = arith.constant 9 : i32
      %broadcast_in_dim3A_812 = vector.broadcast %broadcast_in_dim3A_811 : i32 to vector<16xi32>
      %gather3A_813 = tpu.vector_load_idx %arg7[%add3A_810, %broadcast_in_dim3A_812] : memref<4096x16xf32, #tpu.memory_space<vmem>>[vector<16xi32>, vector<16xi32>], vector<16xf32>,
      %get3A_814 = arith.constant 400 : index
      %get3A_815 = tpu.vector_load %arg9[%get3A_814] {strides = array<i32>} : memref<1024xi32, #tpu.memory_space<vmem>>, vector<16xi32>,
      %gt3A_816 = arith.constant 0 : i32
      %gt3A_817 = vector.broadcast %gt3A_816 : i32 to vector<16xi32>
      %gt3A_818 = arith.cmpi sgt, %get3A_815, %gt3A_817 : vector<16xi32>
      %gt3A_819 = arith.constant 8.000000e-01 : f32
      %gt3A_820 = vector.broadcast %gt3A_819 : f32 to vector<16xf32>
      %gt3A_821 = arith.cmpf ogt, %gather3A_813, %gt3A_820 : vector<16xf32>
      %eq3A_822 = arith.xori %gt3A_821, %gt3A_818 : vector<16xi1>
      %eq3A_823 = arith.constant dense<true> : vector<16xi1>
      %eq3A_824 = arith.xori %eq3A_822, %eq3A_823 : vector<16xi1>
      %and3A_825 = arith.andi %and3A_807, %eq3A_824 : vector<16xi1>
      %add3A_826 = arith.constant 105 : i32
      %add3A_827 = vector.broadcast %add3A_826 : i32 to vector<16xi32>
      %add3A_828 = arith.addi %mul3A_5, %add3A_827 : vector<16xi32>
      %broadcast_in_dim3A_829 = arith.constant 10 : i32
      %broadcast_in_dim3A_830 = vector.broadcast %broadcast_in_dim3A_829 : i32 to vector<16xi32>
      %gather3A_831 = tpu.vector_load_idx %arg7[%add3A_828, %broadcast_in_dim3A_830] : memref<4096x16xf32, #tpu.memory_space<vmem>>[vector<16xi32>, vector<16xi32>], vector<16xf32>,
      %get3A_832 = arith.constant 416 : index
      %get3A_833 = tpu.vector_load %arg9[%get3A_832] {strides = array<i32>} : memref<1024xi32, #tpu.memory_space<vmem>>, vector<16xi32>,
      %gt3A_834 = arith.constant 0 : i32
      %gt3A_835 = vector.broadcast %gt3A_834 : i32 to vector<16xi32>
      %gt3A_836 = arith.cmpi sgt, %get3A_833, %gt3A_835 : vector<16xi32>
      %gt3A_837 = arith.constant 8.000000e-01 : f32
      %gt3A_838 = vector.broadcast %gt3A_837 : f32 to vector<16xf32>
      %gt3A_839 = arith.cmpf ogt, %gather3A_831, %gt3A_838 : vector<16xf32>
      %eq3A_840 = arith.xori %gt3A_839, %gt3A_836 : vector<16xi1>
      %eq3A_841 = arith.constant dense<true> : vector<16xi1>
      %eq3A_842 = arith.xori %eq3A_840, %eq3A_841 : vector<16xi1>
      %and3A_843 = arith.andi %and3A_825, %eq3A_842 : vector<16xi1>
      %add3A_844 = arith.constant 109 : i32
      %add3A_845 = vector.broadcast %add3A_844 : i32 to vector<16xi32>
      %add3A_846 = arith.addi %mul3A_5, %add3A_845 : vector<16xi32>
      %broadcast_in_dim3A_847 = arith.constant 11 : i32
      %broadcast_in_dim3A_848 = vector.broadcast %broadcast_in_dim3A_847 : i32 to vector<16xi32>
      %gather3A_849 = tpu.vector_load_idx %arg7[%add3A_846, %broadcast_in_dim3A_848] : memref<4096x16xf32, #tpu.memory_space<vmem>>[vector<16xi32>, vector<16xi32>], vector<16xf32>,
      %get3A_850 = arith.constant 432 : index
      %get3A_851 = tpu.vector_load %arg9[%get3A_850] {strides = array<i32>} : memref<1024xi32, #tpu.memory_space<vmem>>, vector<16xi32>,
      %gt3A_852 = arith.constant 0 : i32
      %gt3A_853 = vector.broadcast %gt3A_852 : i32 to vector<16xi32>
      %gt3A_854 = arith.cmpi sgt, %get3A_851, %gt3A_853 : vector<16xi32>
      %gt3A_855 = arith.constant 8.000000e-01 : f32
      %gt3A_856 = vector.broadcast %gt3A_855 : f32 to vector<16xf32>
      %gt3A_857 = arith.cmpf ogt, %gather3A_849, %gt3A_856 : vector<16xf32>
      %eq3A_858 = arith.xori %gt3A_857, %gt3A_854 : vector<16xi1>
      %eq3A_859 = arith.constant dense<true> : vector<16xi1>
      %eq3A_860 = arith.xori %eq3A_858, %eq3A_859 : vector<16xi1>
      %and3A_861 = arith.andi %and3A_843, %eq3A_860 : vector<16xi1>
      %add3A_862 = arith.constant 113 : i32
      %add3A_863 = vector.broadcast %add3A_862 : i32 to vector<16xi32>
      %add3A_864 = arith.addi %mul3A_5, %add3A_863 : vector<16xi32>
      %broadcast_in_dim3A_865 = arith.constant 12 : i32
      %broadcast_in_dim3A_866 = vector.broadcast %broadcast_in_dim3A_865 : i32 to vector<16xi32>
      %gather3A_867 = tpu.vector_load_idx %arg7[%add3A_864, %broadcast_in_dim3A_866] : memref<4096x16xf32, #tpu.memory_space<vmem>>[vector<16xi32>, vector<16xi32>], vector<16xf32>,
      %get3A_868 = arith.constant 448 : index
      %get3A_869 = tpu.vector_load %arg9[%get3A_868] {strides = array<i32>} : memref<1024xi32, #tpu.memory_space<vmem>>, vector<16xi32>,
      %gt3A_870 = arith.constant 0 : i32
      %gt3A_871 = vector.broadcast %gt3A_870 : i32 to vector<16xi32>
      %gt3A_872 = arith.cmpi sgt, %get3A_869, %gt3A_871 : vector<16xi32>
      %gt3A_873 = arith.constant 8.000000e-01 : f32
      %gt3A_874 = vector.broadcast %gt3A_873 : f32 to vector<16xf32>
      %gt3A_875 = arith.cmpf ogt, %gather3A_867, %gt3A_874 : vector<16xf32>
      %eq3A_876 = arith.xori %gt3A_875, %gt3A_872 : vector<16xi1>
      %eq3A_877 = arith.constant dense<true> : vector<16xi1>
      %eq3A_878 = arith.xori %eq3A_876, %eq3A_877 : vector<16xi1>
      %and3A_879 = arith.andi %and3A_861, %eq3A_878 : vector<16xi1>
      %add3A_880 = arith.constant 117 : i32
      %add3A_881 = vector.broadcast %add3A_880 : i32 to vector<16xi32>
      %add3A_882 = arith.addi %mul3A_5, %add3A_881 : vector<16xi32>
      %broadcast_in_dim3A_883 = arith.constant 13 : i32
      %broadcast_in_dim3A_884 = vector.broadcast %broadcast_in_dim3A_883 : i32 to vector<16xi32>
      %gather3A_885 = tpu.vector_load_idx %arg7[%add3A_882, %broadcast_in_dim3A_884] : memref<4096x16xf32, #tpu.memory_space<vmem>>[vector<16xi32>, vector<16xi32>], vector<16xf32>,
      %get3A_886 = arith.constant 464 : index
      %get3A_887 = tpu.vector_load %arg9[%get3A_886] {strides = array<i32>} : memref<1024xi32, #tpu.memory_space<vmem>>, vector<16xi32>,
      %gt3A_888 = arith.constant 0 : i32
      %gt3A_889 = vector.broadcast %gt3A_888 : i32 to vector<16xi32>
      %gt3A_890 = arith.cmpi sgt, %get3A_887, %gt3A_889 : vector<16xi32>
      %gt3A_891 = arith.constant 8.000000e-01 : f32
      %gt3A_892 = vector.broadcast %gt3A_891 : f32 to vector<16xf32>
      %gt3A_893 = arith.cmpf ogt, %gather3A_885, %gt3A_892 : vector<16xf32>
      %eq3A_894 = arith.xori %gt3A_893, %gt3A_890 : vector<16xi1>
      %eq3A_895 = arith.constant dense<true> : vector<16xi1>
      %eq3A_896 = arith.xori %eq3A_894, %eq3A_895 : vector<16xi1>
      %and3A_897 = arith.andi %and3A_879, %eq3A_896 : vector<16xi1>
      %add3A_898 = arith.constant 121 : i32
      %add3A_899 = vector.broadcast %add3A_898 : i32 to vector<16xi32>
      %add3A_900 = arith.addi %mul3A_5, %add3A_899 : vector<16xi32>
      %broadcast_in_dim3A_901 = arith.constant 14 : i32
      %broadcast_in_dim3A_902 = vector.broadcast %broadcast_in_dim3A_901 : i32 to vector<16xi32>
      %gather3A_903 = tpu.vector_load_idx %arg7[%add3A_900, %broadcast_in_dim3A_902] : memref<4096x16xf32, #tpu.memory_space<vmem>>[vector<16xi32>, vector<16xi32>], vector<16xf32>,
      %get3A_904 = arith.constant 480 : index
      %get3A_905 = tpu.vector_load %arg9[%get3A_904] {strides = array<i32>} : memref<1024xi32, #tpu.memory_space<vmem>>, vector<16xi32>,
      %gt3A_906 = arith.constant 0 : i32
      %gt3A_907 = vector.broadcast %gt3A_906 : i32 to vector<16xi32>
      %gt3A_908 = arith.cmpi sgt, %get3A_905, %gt3A_907 : vector<16xi32>
      %gt3A_909 = arith.constant 8.000000e-01 : f32
      %gt3A_910 = vector.broadcast %gt3A_909 : f32 to vector<16xf32>
      %gt3A_911 = arith.cmpf ogt, %gather3A_903, %gt3A_910 : vector<16xf32>
      %eq3A_912 = arith.xori %gt3A_911, %gt3A_908 : vector<16xi1>
      %eq3A_913 = arith.constant dense<true> : vector<16xi1>
      %eq3A_914 = arith.xori %eq3A_912, %eq3A_913 : vector<16xi1>
      %and3A_915 = arith.andi %and3A_897, %eq3A_914 : vector<16xi1>
      %add3A_916 = arith.constant 125 : i32
      %add3A_917 = vector.broadcast %add3A_916 : i32 to vector<16xi32>
      %add3A_918 = arith.addi %mul3A_5, %add3A_917 : vector<16xi32>
      %broadcast_in_dim3A_919 = arith.constant 15 : i32
      %broadcast_in_dim3A_920 = vector.broadcast %broadcast_in_dim3A_919 : i32 to vector<16xi32>
      %gather3A_921 = tpu.vector_load_idx %arg7[%add3A_918, %broadcast_in_dim3A_920] : memref<4096x16xf32, #tpu.memory_space<vmem>>[vector<16xi32>, vector<16xi32>], vector<16xf32>,
      %get3A_922 = arith.constant 496 : index
      %get3A_923 = tpu.vector_load %arg9[%get3A_922] {strides = array<i32>} : memref<1024xi32, #tpu.memory_space<vmem>>, vector<16xi32>,
      %gt3A_924 = arith.constant 0 : i32
      %gt3A_925 = vector.broadcast %gt3A_924 : i32 to vector<16xi32>
      %gt3A_926 = arith.cmpi sgt, %get3A_923, %gt3A_925 : vector<16xi32>
      %gt3A_927 = arith.constant 8.000000e-01 : f32
      %gt3A_928 = vector.broadcast %gt3A_927 : f32 to vector<16xf32>
      %gt3A_929 = arith.cmpf ogt, %gather3A_921, %gt3A_928 : vector<16xf32>
      %eq3A_930 = arith.xori %gt3A_929, %gt3A_926 : vector<16xi1>
      %eq3A_931 = arith.constant dense<true> : vector<16xi1>
      %eq3A_932 = arith.xori %eq3A_930, %eq3A_931 : vector<16xi1>
      %and3A_933 = arith.andi %and3A_915, %eq3A_932 : vector<16xi1>
      %add3A_934 = arith.constant 130 : i32
      %add3A_935 = vector.broadcast %add3A_934 : i32 to vector<16xi32>
      %add3A_936 = arith.addi %mul3A_5, %add3A_935 : vector<16xi32>
      %broadcast_in_dim3A_937 = arith.constant 0 : i32
      %broadcast_in_dim3A_938 = vector.broadcast %broadcast_in_dim3A_937 : i32 to vector<16xi32>
      %gather3A_939 = tpu.vector_load_idx %arg7[%add3A_936, %broadcast_in_dim3A_938] : memref<4096x16xf32, #tpu.memory_space<vmem>>[vector<16xi32>, vector<16xi32>], vector<16xf32>,
      %get3A_940 = arith.constant 512 : index
      %get3A_941 = tpu.vector_load %arg9[%get3A_940] {strides = array<i32>} : memref<1024xi32, #tpu.memory_space<vmem>>, vector<16xi32>,
      %gt3A_942 = arith.constant 0 : i32
      %gt3A_943 = vector.broadcast %gt3A_942 : i32 to vector<16xi32>
      %gt3A_944 = arith.cmpi sgt, %get3A_941, %gt3A_943 : vector<16xi32>
      %gt3A_945 = arith.constant 8.000000e-01 : f32
      %gt3A_946 = vector.broadcast %gt3A_945 : f32 to vector<16xf32>
      %gt3A_947 = arith.cmpf ogt, %gather3A_939, %gt3A_946 : vector<16xf32>
      %eq3A_948 = arith.xori %gt3A_947, %gt3A_944 : vector<16xi1>
      %eq3A_949 = arith.constant dense<true> : vector<16xi1>
      %eq3A_950 = arith.xori %eq3A_948, %eq3A_949 : vector<16xi1>
      %and3A_951 = arith.andi %and3A_933, %eq3A_950 : vector<16xi1>
      %add3A_952 = arith.constant 134 : i32
      %add3A_953 = vector.broadcast %add3A_952 : i32 to vector<16xi32>
      %add3A_954 = arith.addi %mul3A_5, %add3A_953 : vector<16xi32>
      %broadcast_in_dim3A_955 = arith.constant 1 : i32
      %broadcast_in_dim3A_956 = vector.broadcast %broadcast_in_dim3A_955 : i32 to vector<16xi32>
      %gather3A_957 = tpu.vector_load_idx %arg7[%add3A_954, %broadcast_in_dim3A_956] : memref<4096x16xf32, #tpu.memory_space<vmem>>[vector<16xi32>, vector<16xi32>], vector<16xf32>,
      %get3A_958 = arith.constant 528 : index
      %get3A_959 = tpu.vector_load %arg9[%get3A_958] {strides = array<i32>} : memref<1024xi32, #tpu.memory_space<vmem>>, vector<16xi32>,
      %gt3A_960 = arith.constant 0 : i32
      %gt3A_961 = vector.broadcast %gt3A_960 : i32 to vector<16xi32>
      %gt3A_962 = arith.cmpi sgt, %get3A_959, %gt3A_961 : vector<16xi32>
      %gt3A_963 = arith.constant 8.000000e-01 : f32
      %gt3A_964 = vector.broadcast %gt3A_963 : f32 to vector<16xf32>
      %gt3A_965 = arith.cmpf ogt, %gather3A_957, %gt3A_964 : vector<16xf32>
      %eq3A_966 = arith.xori %gt3A_965, %gt3A_962 : vector<16xi1>
      %eq3A_967 = arith.constant dense<true> : vector<16xi1>
      %eq3A_968 = arith.xori %eq3A_966, %eq3A_967 : vector<16xi1>
      %and3A_969 = arith.andi %and3A_951, %eq3A_968 : vector<16xi1>
      %add3A_970 = arith.constant 138 : i32
      %add3A_971 = vector.broadcast %add3A_970 : i32 to vector<16xi32>
      %add3A_972 = arith.addi %mul3A_5, %add3A_971 : vector<16xi32>
      %broadcast_in_dim3A_973 = arith.constant 2 : i32
      %broadcast_in_dim3A_974 = vector.broadcast %broadcast_in_dim3A_973 : i32 to vector<16xi32>
      %gather3A_975 = tpu.vector_load_idx %arg7[%add3A_972, %broadcast_in_dim3A_974] : memref<4096x16xf32, #tpu.memory_space<vmem>>[vector<16xi32>, vector<16xi32>], vector<16xf32>,
      %get3A_976 = arith.constant 544 : index
      %get3A_977 = tpu.vector_load %arg9[%get3A_976] {strides = array<i32>} : memref<1024xi32, #tpu.memory_space<vmem>>, vector<16xi32>,
      %gt3A_978 = arith.constant 0 : i32
      %gt3A_979 = vector.broadcast %gt3A_978 : i32 to vector<16xi32>
      %gt3A_980 = arith.cmpi sgt, %get3A_977, %gt3A_979 : vector<16xi32>
      %gt3A_981 = arith.constant 8.000000e-01 : f32
      %gt3A_982 = vector.broadcast %gt3A_981 : f32 to vector<16xf32>
      %gt3A_983 = arith.cmpf ogt, %gather3A_975, %gt3A_982 : vector<16xf32>
      %eq3A_984 = arith.xori %gt3A_983, %gt3A_980 : vector<16xi1>
      %eq3A_985 = arith.constant dense<true> : vector<16xi1>
      %eq3A_986 = arith.xori %eq3A_984, %eq3A_985 : vector<16xi1>
      %and3A_987 = arith.andi %and3A_969, %eq3A_986 : vector<16xi1>
      %add3A_988 = arith.constant 142 : i32
      %add3A_989 = vector.broadcast %add3A_988 : i32 to vector<16xi32>
      %add3A_990 = arith.addi %mul3A_5, %add3A_989 : vector<16xi32>
      %broadcast_in_dim3A_991 = arith.constant 3 : i32
      %broadcast_in_dim3A_992 = vector.broadcast %broadcast_in_dim3A_991 : i32 to vector<16xi32>
      %gather3A_993 = tpu.vector_load_idx %arg7[%add3A_990, %broadcast_in_dim3A_992] : memref<4096x16xf32, #tpu.memory_space<vmem>>[vector<16xi32>, vector<16xi32>], vector<16xf32>,
      %get3A_994 = arith.constant 560 : index
      %get3A_995 = tpu.vector_load %arg9[%get3A_994] {strides = array<i32>} : memref<1024xi32, #tpu.memory_space<vmem>>, vector<16xi32>,
      %gt3A_996 = arith.constant 0 : i32
      %gt3A_997 = vector.broadcast %gt3A_996 : i32 to vector<16xi32>
      %gt3A_998 = arith.cmpi sgt, %get3A_995, %gt3A_997 : vector<16xi32>
      %gt3A_999 = arith.constant 8.000000e-01 : f32
      %gt3A_1000 = vector.broadcast %gt3A_999 : f32 to vector<16xf32>
      %gt3A_1001 = arith.cmpf ogt, %gather3A_993, %gt3A_1000 : vector<16xf32>
      %eq3A_1002 = arith.xori %gt3A_1001, %gt3A_998 : vector<16xi1>
      %eq3A_1003 = arith.constant dense<true> : vector<16xi1>
      %eq3A_1004 = arith.xori %eq3A_1002, %eq3A_1003 : vector<16xi1>
      %and3A_1005 = arith.andi %and3A_987, %eq3A_1004 : vector<16xi1>
      %add3A_1006 = arith.constant 146 : i32
      %add3A_1007 = vector.broadcast %add3A_1006 : i32 to vector<16xi32>
      %add3A_1008 = arith.addi %mul3A_5, %add3A_1007 : vector<16xi32>
      %broadcast_in_dim3A_1009 = arith.constant 4 : i32
      %broadcast_in_dim3A_1010 = vector.broadcast %broadcast_in_dim3A_1009 : i32 to vector<16xi32>
      %gather3A_1011 = tpu.vector_load_idx %arg7[%add3A_1008, %broadcast_in_dim3A_1010] : memref<4096x16xf32, #tpu.memory_space<vmem>>[vector<16xi32>, vector<16xi32>], vector<16xf32>,
      %get3A_1012 = arith.constant 576 : index
      %get3A_1013 = tpu.vector_load %arg9[%get3A_1012] {strides = array<i32>} : memref<1024xi32, #tpu.memory_space<vmem>>, vector<16xi32>,
      %gt3A_1014 = arith.constant 0 : i32
      %gt3A_1015 = vector.broadcast %gt3A_1014 : i32 to vector<16xi32>
      %gt3A_1016 = arith.cmpi sgt, %get3A_1013, %gt3A_1015 : vector<16xi32>
      %gt3A_1017 = arith.constant 8.000000e-01 : f32
      %gt3A_1018 = vector.broadcast %gt3A_1017 : f32 to vector<16xf32>
      %gt3A_1019 = arith.cmpf ogt, %gather3A_1011, %gt3A_1018 : vector<16xf32>
      %eq3A_1020 = arith.xori %gt3A_1019, %gt3A_1016 : vector<16xi1>
      %eq3A_1021 = arith.constant dense<true> : vector<16xi1>
      %eq3A_1022 = arith.xori %eq3A_1020, %eq3A_1021 : vector<16xi1>
      %and3A_1023 = arith.andi %and3A_1005, %eq3A_1022 : vector<16xi1>
      %add3A_1024 = arith.constant 150 : i32
      %add3A_1025 = vector.broadcast %add3A_1024 : i32 to vector<16xi32>
      %add3A_1026 = arith.addi %mul3A_5, %add3A_1025 : vector<16xi32>
      %broadcast_in_dim3A_1027 = arith.constant 5 : i32
      %broadcast_in_dim3A_1028 = vector.broadcast %broadcast_in_dim3A_1027 : i32 to vector<16xi32>
      %gather3A_1029 = tpu.vector_load_idx %arg7[%add3A_1026, %broadcast_in_dim3A_1028] : memref<4096x16xf32, #tpu.memory_space<vmem>>[vector<16xi32>, vector<16xi32>], vector<16xf32>,
      %get3A_1030 = arith.constant 592 : index
      %get3A_1031 = tpu.vector_load %arg9[%get3A_1030] {strides = array<i32>} : memref<1024xi32, #tpu.memory_space<vmem>>, vector<16xi32>,
      %gt3A_1032 = arith.constant 0 : i32
      %gt3A_1033 = vector.broadcast %gt3A_1032 : i32 to vector<16xi32>
      %gt3A_1034 = arith.cmpi sgt, %get3A_1031, %gt3A_1033 : vector<16xi32>
      %gt3A_1035 = arith.constant 8.000000e-01 : f32
      %gt3A_1036 = vector.broadcast %gt3A_1035 : f32 to vector<16xf32>
      %gt3A_1037 = arith.cmpf ogt, %gather3A_1029, %gt3A_1036 : vector<16xf32>
      %eq3A_1038 = arith.xori %gt3A_1037, %gt3A_1034 : vector<16xi1>
      %eq3A_1039 = arith.constant dense<true> : vector<16xi1>
      %eq3A_1040 = arith.xori %eq3A_1038, %eq3A_1039 : vector<16xi1>
      %and3A_1041 = arith.andi %and3A_1023, %eq3A_1040 : vector<16xi1>
      %add3A_1042 = arith.constant 154 : i32
      %add3A_1043 = vector.broadcast %add3A_1042 : i32 to vector<16xi32>
      %add3A_1044 = arith.addi %mul3A_5, %add3A_1043 : vector<16xi32>
      %broadcast_in_dim3A_1045 = arith.constant 6 : i32
      %broadcast_in_dim3A_1046 = vector.broadcast %broadcast_in_dim3A_1045 : i32 to vector<16xi32>
      %gather3A_1047 = tpu.vector_load_idx %arg7[%add3A_1044, %broadcast_in_dim3A_1046] : memref<4096x16xf32, #tpu.memory_space<vmem>>[vector<16xi32>, vector<16xi32>], vector<16xf32>,
      %get3A_1048 = arith.constant 608 : index
      %get3A_1049 = tpu.vector_load %arg9[%get3A_1048] {strides = array<i32>} : memref<1024xi32, #tpu.memory_space<vmem>>, vector<16xi32>,
      %gt3A_1050 = arith.constant 0 : i32
      %gt3A_1051 = vector.broadcast %gt3A_1050 : i32 to vector<16xi32>
      %gt3A_1052 = arith.cmpi sgt, %get3A_1049, %gt3A_1051 : vector<16xi32>
      %gt3A_1053 = arith.constant 8.000000e-01 : f32
      %gt3A_1054 = vector.broadcast %gt3A_1053 : f32 to vector<16xf32>
      %gt3A_1055 = arith.cmpf ogt, %gather3A_1047, %gt3A_1054 : vector<16xf32>
      %eq3A_1056 = arith.xori %gt3A_1055, %gt3A_1052 : vector<16xi1>
      %eq3A_1057 = arith.constant dense<true> : vector<16xi1>
      %eq3A_1058 = arith.xori %eq3A_1056, %eq3A_1057 : vector<16xi1>
      %and3A_1059 = arith.andi %and3A_1041, %eq3A_1058 : vector<16xi1>
      %add3A_1060 = arith.constant 158 : i32
      %add3A_1061 = vector.broadcast %add3A_1060 : i32 to vector<16xi32>
      %add3A_1062 = arith.addi %mul3A_5, %add3A_1061 : vector<16xi32>
      %broadcast_in_dim3A_1063 = arith.constant 7 : i32
      %broadcast_in_dim3A_1064 = vector.broadcast %broadcast_in_dim3A_1063 : i32 to vector<16xi32>
      %gather3A_1065 = tpu.vector_load_idx %arg7[%add3A_1062, %broadcast_in_dim3A_1064] : memref<4096x16xf32, #tpu.memory_space<vmem>>[vector<16xi32>, vector<16xi32>], vector<16xf32>,
      %get3A_1066 = arith.constant 624 : index
      %get3A_1067 = tpu.vector_load %arg9[%get3A_1066] {strides = array<i32>} : memref<1024xi32, #tpu.memory_space<vmem>>, vector<16xi32>,
      %gt3A_1068 = arith.constant 0 : i32
      %gt3A_1069 = vector.broadcast %gt3A_1068 : i32 to vector<16xi32>
      %gt3A_1070 = arith.cmpi sgt, %get3A_1067, %gt3A_1069 : vector<16xi32>
      %gt3A_1071 = arith.constant 8.000000e-01 : f32
      %gt3A_1072 = vector.broadcast %gt3A_1071 : f32 to vector<16xf32>
      %gt3A_1073 = arith.cmpf ogt, %gather3A_1065, %gt3A_1072 : vector<16xf32>
      %eq3A_1074 = arith.xori %gt3A_1073, %gt3A_1070 : vector<16xi1>
      %eq3A_1075 = arith.constant dense<true> : vector<16xi1>
      %eq3A_1076 = arith.xori %eq3A_1074, %eq3A_1075 : vector<16xi1>
      %and3A_1077 = arith.andi %and3A_1059, %eq3A_1076 : vector<16xi1>
      %add3A_1078 = arith.constant 162 : i32
      %add3A_1079 = vector.broadcast %add3A_1078 : i32 to vector<16xi32>
      %add3A_1080 = arith.addi %mul3A_5, %add3A_1079 : vector<16xi32>
      %broadcast_in_dim3A_1081 = arith.constant 8 : i32
      %broadcast_in_dim3A_1082 = vector.broadcast %broadcast_in_dim3A_1081 : i32 to vector<16xi32>
      %gather3A_1083 = tpu.vector_load_idx %arg7[%add3A_1080, %broadcast_in_dim3A_1082] : memref<4096x16xf32, #tpu.memory_space<vmem>>[vector<16xi32>, vector<16xi32>], vector<16xf32>,
      %get3A_1084 = arith.constant 640 : index
      %get3A_1085 = tpu.vector_load %arg9[%get3A_1084] {strides = array<i32>} : memref<1024xi32, #tpu.memory_space<vmem>>, vector<16xi32>,
      %gt3A_1086 = arith.constant 0 : i32
      %gt3A_1087 = vector.broadcast %gt3A_1086 : i32 to vector<16xi32>
      %gt3A_1088 = arith.cmpi sgt, %get3A_1085, %gt3A_1087 : vector<16xi32>
      %gt3A_1089 = arith.constant 8.000000e-01 : f32
      %gt3A_1090 = vector.broadcast %gt3A_1089 : f32 to vector<16xf32>
      %gt3A_1091 = arith.cmpf ogt, %gather3A_1083, %gt3A_1090 : vector<16xf32>
      %eq3A_1092 = arith.xori %gt3A_1091, %gt3A_1088 : vector<16xi1>
      %eq3A_1093 = arith.constant dense<true> : vector<16xi1>
      %eq3A_1094 = arith.xori %eq3A_1092, %eq3A_1093 : vector<16xi1>
      %and3A_1095 = arith.andi %and3A_1077, %eq3A_1094 : vector<16xi1>
      %add3A_1096 = arith.constant 166 : i32
      %add3A_1097 = vector.broadcast %add3A_1096 : i32 to vector<16xi32>
      %add3A_1098 = arith.addi %mul3A_5, %add3A_1097 : vector<16xi32>
      %broadcast_in_dim3A_1099 = arith.constant 9 : i32
      %broadcast_in_dim3A_1100 = vector.broadcast %broadcast_in_dim3A_1099 : i32 to vector<16xi32>
      %gather3A_1101 = tpu.vector_load_idx %arg7[%add3A_1098, %broadcast_in_dim3A_1100] : memref<4096x16xf32, #tpu.memory_space<vmem>>[vector<16xi32>, vector<16xi32>], vector<16xf32>,
      %get3A_1102 = arith.constant 656 : index
      %get3A_1103 = tpu.vector_load %arg9[%get3A_1102] {strides = array<i32>} : memref<1024xi32, #tpu.memory_space<vmem>>, vector<16xi32>,
      %gt3A_1104 = arith.constant 0 : i32
      %gt3A_1105 = vector.broadcast %gt3A_1104 : i32 to vector<16xi32>
      %gt3A_1106 = arith.cmpi sgt, %get3A_1103, %gt3A_1105 : vector<16xi32>
      %gt3A_1107 = arith.constant 8.000000e-01 : f32
      %gt3A_1108 = vector.broadcast %gt3A_1107 : f32 to vector<16xf32>
      %gt3A_1109 = arith.cmpf ogt, %gather3A_1101, %gt3A_1108 : vector<16xf32>
      %eq3A_1110 = arith.xori %gt3A_1109, %gt3A_1106 : vector<16xi1>
      %eq3A_1111 = arith.constant dense<true> : vector<16xi1>
      %eq3A_1112 = arith.xori %eq3A_1110, %eq3A_1111 : vector<16xi1>
      %and3A_1113 = arith.andi %and3A_1095, %eq3A_1112 : vector<16xi1>
      %add3A_1114 = arith.constant 170 : i32
      %add3A_1115 = vector.broadcast %add3A_1114 : i32 to vector<16xi32>
      %add3A_1116 = arith.addi %mul3A_5, %add3A_1115 : vector<16xi32>
      %broadcast_in_dim3A_1117 = arith.constant 10 : i32
      %broadcast_in_dim3A_1118 = vector.broadcast %broadcast_in_dim3A_1117 : i32 to vector<16xi32>
      %gather3A_1119 = tpu.vector_load_idx %arg7[%add3A_1116, %broadcast_in_dim3A_1118] : memref<4096x16xf32, #tpu.memory_space<vmem>>[vector<16xi32>, vector<16xi32>], vector<16xf32>,
      %get3A_1120 = arith.constant 672 : index
      %get3A_1121 = tpu.vector_load %arg9[%get3A_1120] {strides = array<i32>} : memref<1024xi32, #tpu.memory_space<vmem>>, vector<16xi32>,
      %gt3A_1122 = arith.constant 0 : i32
      %gt3A_1123 = vector.broadcast %gt3A_1122 : i32 to vector<16xi32>
      %gt3A_1124 = arith.cmpi sgt, %get3A_1121, %gt3A_1123 : vector<16xi32>
      %gt3A_1125 = arith.constant 8.000000e-01 : f32
      %gt3A_1126 = vector.broadcast %gt3A_1125 : f32 to vector<16xf32>
      %gt3A_1127 = arith.cmpf ogt, %gather3A_1119, %gt3A_1126 : vector<16xf32>
      %eq3A_1128 = arith.xori %gt3A_1127, %gt3A_1124 : vector<16xi1>
      %eq3A_1129 = arith.constant dense<true> : vector<16xi1>
      %eq3A_1130 = arith.xori %eq3A_1128, %eq3A_1129 : vector<16xi1>
      %and3A_1131 = arith.andi %and3A_1113, %eq3A_1130 : vector<16xi1>
      %add3A_1132 = arith.constant 174 : i32
      %add3A_1133 = vector.broadcast %add3A_1132 : i32 to vector<16xi32>
      %add3A_1134 = arith.addi %mul3A_5, %add3A_1133 : vector<16xi32>
      %broadcast_in_dim3A_1135 = arith.constant 11 : i32
      %broadcast_in_dim3A_1136 = vector.broadcast %broadcast_in_dim3A_1135 : i32 to vector<16xi32>
      %gather3A_1137 = tpu.vector_load_idx %arg7[%add3A_1134, %broadcast_in_dim3A_1136] : memref<4096x16xf32, #tpu.memory_space<vmem>>[vector<16xi32>, vector<16xi32>], vector<16xf32>,
      %get3A_1138 = arith.constant 688 : index
      %get3A_1139 = tpu.vector_load %arg9[%get3A_1138] {strides = array<i32>} : memref<1024xi32, #tpu.memory_space<vmem>>, vector<16xi32>,
      %gt3A_1140 = arith.constant 0 : i32
      %gt3A_1141 = vector.broadcast %gt3A_1140 : i32 to vector<16xi32>
      %gt3A_1142 = arith.cmpi sgt, %get3A_1139, %gt3A_1141 : vector<16xi32>
      %gt3A_1143 = arith.constant 8.000000e-01 : f32
      %gt3A_1144 = vector.broadcast %gt3A_1143 : f32 to vector<16xf32>
      %gt3A_1145 = arith.cmpf ogt, %gather3A_1137, %gt3A_1144 : vector<16xf32>
      %eq3A_1146 = arith.xori %gt3A_1145, %gt3A_1142 : vector<16xi1>
      %eq3A_1147 = arith.constant dense<true> : vector<16xi1>
      %eq3A_1148 = arith.xori %eq3A_1146, %eq3A_1147 : vector<16xi1>
      %and3A_1149 = arith.andi %and3A_1131, %eq3A_1148 : vector<16xi1>
      %add3A_1150 = arith.constant 178 : i32
      %add3A_1151 = vector.broadcast %add3A_1150 : i32 to vector<16xi32>
      %add3A_1152 = arith.addi %mul3A_5, %add3A_1151 : vector<16xi32>
      %broadcast_in_dim3A_1153 = arith.constant 12 : i32
      %broadcast_in_dim3A_1154 = vector.broadcast %broadcast_in_dim3A_1153 : i32 to vector<16xi32>
      %gather3A_1155 = tpu.vector_load_idx %arg7[%add3A_1152, %broadcast_in_dim3A_1154] : memref<4096x16xf32, #tpu.memory_space<vmem>>[vector<16xi32>, vector<16xi32>], vector<16xf32>,
      %get3A_1156 = arith.constant 704 : index
      %get3A_1157 = tpu.vector_load %arg9[%get3A_1156] {strides = array<i32>} : memref<1024xi32, #tpu.memory_space<vmem>>, vector<16xi32>,
      %gt3A_1158 = arith.constant 0 : i32
      %gt3A_1159 = vector.broadcast %gt3A_1158 : i32 to vector<16xi32>
      %gt3A_1160 = arith.cmpi sgt, %get3A_1157, %gt3A_1159 : vector<16xi32>
      %gt3A_1161 = arith.constant 8.000000e-01 : f32
      %gt3A_1162 = vector.broadcast %gt3A_1161 : f32 to vector<16xf32>
      %gt3A_1163 = arith.cmpf ogt, %gather3A_1155, %gt3A_1162 : vector<16xf32>
      %eq3A_1164 = arith.xori %gt3A_1163, %gt3A_1160 : vector<16xi1>
      %eq3A_1165 = arith.constant dense<true> : vector<16xi1>
      %eq3A_1166 = arith.xori %eq3A_1164, %eq3A_1165 : vector<16xi1>
      %and3A_1167 = arith.andi %and3A_1149, %eq3A_1166 : vector<16xi1>
      %add3A_1168 = arith.constant 182 : i32
      %add3A_1169 = vector.broadcast %add3A_1168 : i32 to vector<16xi32>
      %add3A_1170 = arith.addi %mul3A_5, %add3A_1169 : vector<16xi32>
      %broadcast_in_dim3A_1171 = arith.constant 13 : i32
      %broadcast_in_dim3A_1172 = vector.broadcast %broadcast_in_dim3A_1171 : i32 to vector<16xi32>
      %gather3A_1173 = tpu.vector_load_idx %arg7[%add3A_1170, %broadcast_in_dim3A_1172] : memref<4096x16xf32, #tpu.memory_space<vmem>>[vector<16xi32>, vector<16xi32>], vector<16xf32>,
      %get3A_1174 = arith.constant 720 : index
      %get3A_1175 = tpu.vector_load %arg9[%get3A_1174] {strides = array<i32>} : memref<1024xi32, #tpu.memory_space<vmem>>, vector<16xi32>,
      %gt3A_1176 = arith.constant 0 : i32
      %gt3A_1177 = vector.broadcast %gt3A_1176 : i32 to vector<16xi32>
      %gt3A_1178 = arith.cmpi sgt, %get3A_1175, %gt3A_1177 : vector<16xi32>
      %gt3A_1179 = arith.constant 8.000000e-01 : f32
      %gt3A_1180 = vector.broadcast %gt3A_1179 : f32 to vector<16xf32>
      %gt3A_1181 = arith.cmpf ogt, %gather3A_1173, %gt3A_1180 : vector<16xf32>
      %eq3A_1182 = arith.xori %gt3A_1181, %gt3A_1178 : vector<16xi1>
      %eq3A_1183 = arith.constant dense<true> : vector<16xi1>
      %eq3A_1184 = arith.xori %eq3A_1182, %eq3A_1183 : vector<16xi1>
      %and3A_1185 = arith.andi %and3A_1167, %eq3A_1184 : vector<16xi1>
      %add3A_1186 = arith.constant 186 : i32
      %add3A_1187 = vector.broadcast %add3A_1186 : i32 to vector<16xi32>
      %add3A_1188 = arith.addi %mul3A_5, %add3A_1187 : vector<16xi32>
      %broadcast_in_dim3A_1189 = arith.constant 14 : i32
      %broadcast_in_dim3A_1190 = vector.broadcast %broadcast_in_dim3A_1189 : i32 to vector<16xi32>
      %gather3A_1191 = tpu.vector_load_idx %arg7[%add3A_1188, %broadcast_in_dim3A_1190] : memref<4096x16xf32, #tpu.memory_space<vmem>>[vector<16xi32>, vector<16xi32>], vector<16xf32>,
      %get3A_1192 = arith.constant 736 : index
      %get3A_1193 = tpu.vector_load %arg9[%get3A_1192] {strides = array<i32>} : memref<1024xi32, #tpu.memory_space<vmem>>, vector<16xi32>,
      %gt3A_1194 = arith.constant 0 : i32
      %gt3A_1195 = vector.broadcast %gt3A_1194 : i32 to vector<16xi32>
      %gt3A_1196 = arith.cmpi sgt, %get3A_1193, %gt3A_1195 : vector<16xi32>
      %gt3A_1197 = arith.constant 8.000000e-01 : f32
      %gt3A_1198 = vector.broadcast %gt3A_1197 : f32 to vector<16xf32>
      %gt3A_1199 = arith.cmpf ogt, %gather3A_1191, %gt3A_1198 : vector<16xf32>
      %eq3A_1200 = arith.xori %gt3A_1199, %gt3A_1196 : vector<16xi1>
      %eq3A_1201 = arith.constant dense<true> : vector<16xi1>
      %eq3A_1202 = arith.xori %eq3A_1200, %eq3A_1201 : vector<16xi1>
      %and3A_1203 = arith.andi %and3A_1185, %eq3A_1202 : vector<16xi1>
      %add3A_1204 = arith.constant 190 : i32
      %add3A_1205 = vector.broadcast %add3A_1204 : i32 to vector<16xi32>
      %add3A_1206 = arith.addi %mul3A_5, %add3A_1205 : vector<16xi32>
      %broadcast_in_dim3A_1207 = arith.constant 15 : i32
      %broadcast_in_dim3A_1208 = vector.broadcast %broadcast_in_dim3A_1207 : i32 to vector<16xi32>
      %gather3A_1209 = tpu.vector_load_idx %arg7[%add3A_1206, %broadcast_in_dim3A_1208] : memref<4096x16xf32, #tpu.memory_space<vmem>>[vector<16xi32>, vector<16xi32>], vector<16xf32>,
      %get3A_1210 = arith.constant 752 : index
      %get3A_1211 = tpu.vector_load %arg9[%get3A_1210] {strides = array<i32>} : memref<1024xi32, #tpu.memory_space<vmem>>, vector<16xi32>,
      %gt3A_1212 = arith.constant 0 : i32
      %gt3A_1213 = vector.broadcast %gt3A_1212 : i32 to vector<16xi32>
      %gt3A_1214 = arith.cmpi sgt, %get3A_1211, %gt3A_1213 : vector<16xi32>
      %gt3A_1215 = arith.constant 8.000000e-01 : f32
      %gt3A_1216 = vector.broadcast %gt3A_1215 : f32 to vector<16xf32>
      %gt3A_1217 = arith.cmpf ogt, %gather3A_1209, %gt3A_1216 : vector<16xf32>
      %eq3A_1218 = arith.xori %gt3A_1217, %gt3A_1214 : vector<16xi1>
      %eq3A_1219 = arith.constant dense<true> : vector<16xi1>
      %eq3A_1220 = arith.xori %eq3A_1218, %eq3A_1219 : vector<16xi1>
      %and3A_1221 = arith.andi %and3A_1203, %eq3A_1220 : vector<16xi1>
      %add3A_1222 = arith.constant 195 : i32
      %add3A_1223 = vector.broadcast %add3A_1222 : i32 to vector<16xi32>
      %add3A_1224 = arith.addi %mul3A_5, %add3A_1223 : vector<16xi32>
      %broadcast_in_dim3A_1225 = arith.constant 0 : i32
      %broadcast_in_dim3A_1226 = vector.broadcast %broadcast_in_dim3A_1225 : i32 to vector<16xi32>
      %gather3A_1227 = tpu.vector_load_idx %arg7[%add3A_1224, %broadcast_in_dim3A_1226] : memref<4096x16xf32, #tpu.memory_space<vmem>>[vector<16xi32>, vector<16xi32>], vector<16xf32>,
      %get3A_1228 = arith.constant 768 : index
      %get3A_1229 = tpu.vector_load %arg9[%get3A_1228] {strides = array<i32>} : memref<1024xi32, #tpu.memory_space<vmem>>, vector<16xi32>,
      %gt3A_1230 = arith.constant 0 : i32
      %gt3A_1231 = vector.broadcast %gt3A_1230 : i32 to vector<16xi32>
      %gt3A_1232 = arith.cmpi sgt, %get3A_1229, %gt3A_1231 : vector<16xi32>
      %gt3A_1233 = arith.constant 8.000000e-01 : f32
      %gt3A_1234 = vector.broadcast %gt3A_1233 : f32 to vector<16xf32>
      %gt3A_1235 = arith.cmpf ogt, %gather3A_1227, %gt3A_1234 : vector<16xf32>
      %eq3A_1236 = arith.xori %gt3A_1235, %gt3A_1232 : vector<16xi1>
      %eq3A_1237 = arith.constant dense<true> : vector<16xi1>
      %eq3A_1238 = arith.xori %eq3A_1236, %eq3A_1237 : vector<16xi1>
      %and3A_1239 = arith.andi %and3A_1221, %eq3A_1238 : vector<16xi1>
      %add3A_1240 = arith.constant 199 : i32
      %add3A_1241 = vector.broadcast %add3A_1240 : i32 to vector<16xi32>
      %add3A_1242 = arith.addi %mul3A_5, %add3A_1241 : vector<16xi32>
      %broadcast_in_dim3A_1243 = arith.constant 1 : i32
      %broadcast_in_dim3A_1244 = vector.broadcast %broadcast_in_dim3A_1243 : i32 to vector<16xi32>
      %gather3A_1245 = tpu.vector_load_idx %arg7[%add3A_1242, %broadcast_in_dim3A_1244] : memref<4096x16xf32, #tpu.memory_space<vmem>>[vector<16xi32>, vector<16xi32>], vector<16xf32>,
      %get3A_1246 = arith.constant 784 : index
      %get3A_1247 = tpu.vector_load %arg9[%get3A_1246] {strides = array<i32>} : memref<1024xi32, #tpu.memory_space<vmem>>, vector<16xi32>,
      %gt3A_1248 = arith.constant 0 : i32
      %gt3A_1249 = vector.broadcast %gt3A_1248 : i32 to vector<16xi32>
      %gt3A_1250 = arith.cmpi sgt, %get3A_1247, %gt3A_1249 : vector<16xi32>
      %gt3A_1251 = arith.constant 8.000000e-01 : f32
      %gt3A_1252 = vector.broadcast %gt3A_1251 : f32 to vector<16xf32>
      %gt3A_1253 = arith.cmpf ogt, %gather3A_1245, %gt3A_1252 : vector<16xf32>
      %eq3A_1254 = arith.xori %gt3A_1253, %gt3A_1250 : vector<16xi1>
      %eq3A_1255 = arith.constant dense<true> : vector<16xi1>
      %eq3A_1256 = arith.xori %eq3A_1254, %eq3A_1255 : vector<16xi1>
      %and3A_1257 = arith.andi %and3A_1239, %eq3A_1256 : vector<16xi1>
      %add3A_1258 = arith.constant 203 : i32
      %add3A_1259 = vector.broadcast %add3A_1258 : i32 to vector<16xi32>
      %add3A_1260 = arith.addi %mul3A_5, %add3A_1259 : vector<16xi32>
      %broadcast_in_dim3A_1261 = arith.constant 2 : i32
      %broadcast_in_dim3A_1262 = vector.broadcast %broadcast_in_dim3A_1261 : i32 to vector<16xi32>
      %gather3A_1263 = tpu.vector_load_idx %arg7[%add3A_1260, %broadcast_in_dim3A_1262] : memref<4096x16xf32, #tpu.memory_space<vmem>>[vector<16xi32>, vector<16xi32>], vector<16xf32>,
      %get3A_1264 = arith.constant 800 : index
      %get3A_1265 = tpu.vector_load %arg9[%get3A_1264] {strides = array<i32>} : memref<1024xi32, #tpu.memory_space<vmem>>, vector<16xi32>,
      %gt3A_1266 = arith.constant 0 : i32
      %gt3A_1267 = vector.broadcast %gt3A_1266 : i32 to vector<16xi32>
      %gt3A_1268 = arith.cmpi sgt, %get3A_1265, %gt3A_1267 : vector<16xi32>
      %gt3A_1269 = arith.constant 8.000000e-01 : f32
      %gt3A_1270 = vector.broadcast %gt3A_1269 : f32 to vector<16xf32>
      %gt3A_1271 = arith.cmpf ogt, %gather3A_1263, %gt3A_1270 : vector<16xf32>
      %eq3A_1272 = arith.xori %gt3A_1271, %gt3A_1268 : vector<16xi1>
      %eq3A_1273 = arith.constant dense<true> : vector<16xi1>
      %eq3A_1274 = arith.xori %eq3A_1272, %eq3A_1273 : vector<16xi1>
      %and3A_1275 = arith.andi %and3A_1257, %eq3A_1274 : vector<16xi1>
      %add3A_1276 = arith.constant 207 : i32
      %add3A_1277 = vector.broadcast %add3A_1276 : i32 to vector<16xi32>
      %add3A_1278 = arith.addi %mul3A_5, %add3A_1277 : vector<16xi32>
      %broadcast_in_dim3A_1279 = arith.constant 3 : i32
      %broadcast_in_dim3A_1280 = vector.broadcast %broadcast_in_dim3A_1279 : i32 to vector<16xi32>
      %gather3A_1281 = tpu.vector_load_idx %arg7[%add3A_1278, %broadcast_in_dim3A_1280] : memref<4096x16xf32, #tpu.memory_space<vmem>>[vector<16xi32>, vector<16xi32>], vector<16xf32>,
      %get3A_1282 = arith.constant 816 : index
      %get3A_1283 = tpu.vector_load %arg9[%get3A_1282] {strides = array<i32>} : memref<1024xi32, #tpu.memory_space<vmem>>, vector<16xi32>,
      %gt3A_1284 = arith.constant 0 : i32
      %gt3A_1285 = vector.broadcast %gt3A_1284 : i32 to vector<16xi32>
      %gt3A_1286 = arith.cmpi sgt, %get3A_1283, %gt3A_1285 : vector<16xi32>
      %gt3A_1287 = arith.constant 8.000000e-01 : f32
      %gt3A_1288 = vector.broadcast %gt3A_1287 : f32 to vector<16xf32>
      %gt3A_1289 = arith.cmpf ogt, %gather3A_1281, %gt3A_1288 : vector<16xf32>
      %eq3A_1290 = arith.xori %gt3A_1289, %gt3A_1286 : vector<16xi1>
      %eq3A_1291 = arith.constant dense<true> : vector<16xi1>
      %eq3A_1292 = arith.xori %eq3A_1290, %eq3A_1291 : vector<16xi1>
      %and3A_1293 = arith.andi %and3A_1275, %eq3A_1292 : vector<16xi1>
      %add3A_1294 = arith.constant 211 : i32
      %add3A_1295 = vector.broadcast %add3A_1294 : i32 to vector<16xi32>
      %add3A_1296 = arith.addi %mul3A_5, %add3A_1295 : vector<16xi32>
      %broadcast_in_dim3A_1297 = arith.constant 4 : i32
      %broadcast_in_dim3A_1298 = vector.broadcast %broadcast_in_dim3A_1297 : i32 to vector<16xi32>
      %gather3A_1299 = tpu.vector_load_idx %arg7[%add3A_1296, %broadcast_in_dim3A_1298] : memref<4096x16xf32, #tpu.memory_space<vmem>>[vector<16xi32>, vector<16xi32>], vector<16xf32>,
      %get3A_1300 = arith.constant 832 : index
      %get3A_1301 = tpu.vector_load %arg9[%get3A_1300] {strides = array<i32>} : memref<1024xi32, #tpu.memory_space<vmem>>, vector<16xi32>,
      %gt3A_1302 = arith.constant 0 : i32
      %gt3A_1303 = vector.broadcast %gt3A_1302 : i32 to vector<16xi32>
      %gt3A_1304 = arith.cmpi sgt, %get3A_1301, %gt3A_1303 : vector<16xi32>
      %gt3A_1305 = arith.constant 8.000000e-01 : f32
      %gt3A_1306 = vector.broadcast %gt3A_1305 : f32 to vector<16xf32>
      %gt3A_1307 = arith.cmpf ogt, %gather3A_1299, %gt3A_1306 : vector<16xf32>
      %eq3A_1308 = arith.xori %gt3A_1307, %gt3A_1304 : vector<16xi1>
      %eq3A_1309 = arith.constant dense<true> : vector<16xi1>
      %eq3A_1310 = arith.xori %eq3A_1308, %eq3A_1309 : vector<16xi1>
      %and3A_1311 = arith.andi %and3A_1293, %eq3A_1310 : vector<16xi1>
      %add3A_1312 = arith.constant 215 : i32
      %add3A_1313 = vector.broadcast %add3A_1312 : i32 to vector<16xi32>
      %add3A_1314 = arith.addi %mul3A_5, %add3A_1313 : vector<16xi32>
      %broadcast_in_dim3A_1315 = arith.constant 5 : i32
      %broadcast_in_dim3A_1316 = vector.broadcast %broadcast_in_dim3A_1315 : i32 to vector<16xi32>
      %gather3A_1317 = tpu.vector_load_idx %arg7[%add3A_1314, %broadcast_in_dim3A_1316] : memref<4096x16xf32, #tpu.memory_space<vmem>>[vector<16xi32>, vector<16xi32>], vector<16xf32>,
      %get3A_1318 = arith.constant 848 : index
      %get3A_1319 = tpu.vector_load %arg9[%get3A_1318] {strides = array<i32>} : memref<1024xi32, #tpu.memory_space<vmem>>, vector<16xi32>,
      %gt3A_1320 = arith.constant 0 : i32
      %gt3A_1321 = vector.broadcast %gt3A_1320 : i32 to vector<16xi32>
      %gt3A_1322 = arith.cmpi sgt, %get3A_1319, %gt3A_1321 : vector<16xi32>
      %gt3A_1323 = arith.constant 8.000000e-01 : f32
      %gt3A_1324 = vector.broadcast %gt3A_1323 : f32 to vector<16xf32>
      %gt3A_1325 = arith.cmpf ogt, %gather3A_1317, %gt3A_1324 : vector<16xf32>
      %eq3A_1326 = arith.xori %gt3A_1325, %gt3A_1322 : vector<16xi1>
      %eq3A_1327 = arith.constant dense<true> : vector<16xi1>
      %eq3A_1328 = arith.xori %eq3A_1326, %eq3A_1327 : vector<16xi1>
      %and3A_1329 = arith.andi %and3A_1311, %eq3A_1328 : vector<16xi1>
      %add3A_1330 = arith.constant 219 : i32
      %add3A_1331 = vector.broadcast %add3A_1330 : i32 to vector<16xi32>
      %add3A_1332 = arith.addi %mul3A_5, %add3A_1331 : vector<16xi32>
      %broadcast_in_dim3A_1333 = arith.constant 6 : i32
      %broadcast_in_dim3A_1334 = vector.broadcast %broadcast_in_dim3A_1333 : i32 to vector<16xi32>
      %gather3A_1335 = tpu.vector_load_idx %arg7[%add3A_1332, %broadcast_in_dim3A_1334] : memref<4096x16xf32, #tpu.memory_space<vmem>>[vector<16xi32>, vector<16xi32>], vector<16xf32>,
      %get3A_1336 = arith.constant 864 : index
      %get3A_1337 = tpu.vector_load %arg9[%get3A_1336] {strides = array<i32>} : memref<1024xi32, #tpu.memory_space<vmem>>, vector<16xi32>,
      %gt3A_1338 = arith.constant 0 : i32
      %gt3A_1339 = vector.broadcast %gt3A_1338 : i32 to vector<16xi32>
      %gt3A_1340 = arith.cmpi sgt, %get3A_1337, %gt3A_1339 : vector<16xi32>
      %gt3A_1341 = arith.constant 8.000000e-01 : f32
      %gt3A_1342 = vector.broadcast %gt3A_1341 : f32 to vector<16xf32>
      %gt3A_1343 = arith.cmpf ogt, %gather3A_1335, %gt3A_1342 : vector<16xf32>
      %eq3A_1344 = arith.xori %gt3A_1343, %gt3A_1340 : vector<16xi1>
      %eq3A_1345 = arith.constant dense<true> : vector<16xi1>
      %eq3A_1346 = arith.xori %eq3A_1344, %eq3A_1345 : vector<16xi1>
      %and3A_1347 = arith.andi %and3A_1329, %eq3A_1346 : vector<16xi1>
      %add3A_1348 = arith.constant 223 : i32
      %add3A_1349 = vector.broadcast %add3A_1348 : i32 to vector<16xi32>
      %add3A_1350 = arith.addi %mul3A_5, %add3A_1349 : vector<16xi32>
      %broadcast_in_dim3A_1351 = arith.constant 7 : i32
      %broadcast_in_dim3A_1352 = vector.broadcast %broadcast_in_dim3A_1351 : i32 to vector<16xi32>
      %gather3A_1353 = tpu.vector_load_idx %arg7[%add3A_1350, %broadcast_in_dim3A_1352] : memref<4096x16xf32, #tpu.memory_space<vmem>>[vector<16xi32>, vector<16xi32>], vector<16xf32>,
      %get3A_1354 = arith.constant 880 : index
      %get3A_1355 = tpu.vector_load %arg9[%get3A_1354] {strides = array<i32>} : memref<1024xi32, #tpu.memory_space<vmem>>, vector<16xi32>,
      %gt3A_1356 = arith.constant 0 : i32
      %gt3A_1357 = vector.broadcast %gt3A_1356 : i32 to vector<16xi32>
      %gt3A_1358 = arith.cmpi sgt, %get3A_1355, %gt3A_1357 : vector<16xi32>
      %gt3A_1359 = arith.constant 8.000000e-01 : f32
      %gt3A_1360 = vector.broadcast %gt3A_1359 : f32 to vector<16xf32>
      %gt3A_1361 = arith.cmpf ogt, %gather3A_1353, %gt3A_1360 : vector<16xf32>
      %eq3A_1362 = arith.xori %gt3A_1361, %gt3A_1358 : vector<16xi1>
      %eq3A_1363 = arith.constant dense<true> : vector<16xi1>
      %eq3A_1364 = arith.xori %eq3A_1362, %eq3A_1363 : vector<16xi1>
      %and3A_1365 = arith.andi %and3A_1347, %eq3A_1364 : vector<16xi1>
      %add3A_1366 = arith.constant 227 : i32
      %add3A_1367 = vector.broadcast %add3A_1366 : i32 to vector<16xi32>
      %add3A_1368 = arith.addi %mul3A_5, %add3A_1367 : vector<16xi32>
      %broadcast_in_dim3A_1369 = arith.constant 8 : i32
      %broadcast_in_dim3A_1370 = vector.broadcast %broadcast_in_dim3A_1369 : i32 to vector<16xi32>
      %gather3A_1371 = tpu.vector_load_idx %arg7[%add3A_1368, %broadcast_in_dim3A_1370] : memref<4096x16xf32, #tpu.memory_space<vmem>>[vector<16xi32>, vector<16xi32>], vector<16xf32>,
      %get3A_1372 = arith.constant 896 : index
      %get3A_1373 = tpu.vector_load %arg9[%get3A_1372] {strides = array<i32>} : memref<1024xi32, #tpu.memory_space<vmem>>, vector<16xi32>,
      %gt3A_1374 = arith.constant 0 : i32
      %gt3A_1375 = vector.broadcast %gt3A_1374 : i32 to vector<16xi32>
      %gt3A_1376 = arith.cmpi sgt, %get3A_1373, %gt3A_1375 : vector<16xi32>
      %gt3A_1377 = arith.constant 8.000000e-01 : f32
      %gt3A_1378 = vector.broadcast %gt3A_1377 : f32 to vector<16xf32>
      %gt3A_1379 = arith.cmpf ogt, %gather3A_1371, %gt3A_1378 : vector<16xf32>
      %eq3A_1380 = arith.xori %gt3A_1379, %gt3A_1376 : vector<16xi1>
      %eq3A_1381 = arith.constant dense<true> : vector<16xi1>
      %eq3A_1382 = arith.xori %eq3A_1380, %eq3A_1381 : vector<16xi1>
      %and3A_1383 = arith.andi %and3A_1365, %eq3A_1382 : vector<16xi1>
      %add3A_1384 = arith.constant 231 : i32
      %add3A_1385 = vector.broadcast %add3A_1384 : i32 to vector<16xi32>
      %add3A_1386 = arith.addi %mul3A_5, %add3A_1385 : vector<16xi32>
      %broadcast_in_dim3A_1387 = arith.constant 9 : i32
      %broadcast_in_dim3A_1388 = vector.broadcast %broadcast_in_dim3A_1387 : i32 to vector<16xi32>
      %gather3A_1389 = tpu.vector_load_idx %arg7[%add3A_1386, %broadcast_in_dim3A_1388] : memref<4096x16xf32, #tpu.memory_space<vmem>>[vector<16xi32>, vector<16xi32>], vector<16xf32>,
      %get3A_1390 = arith.constant 912 : index
      %get3A_1391 = tpu.vector_load %arg9[%get3A_1390] {strides = array<i32>} : memref<1024xi32, #tpu.memory_space<vmem>>, vector<16xi32>,
      %gt3A_1392 = arith.constant 0 : i32
      %gt3A_1393 = vector.broadcast %gt3A_1392 : i32 to vector<16xi32>
      %gt3A_1394 = arith.cmpi sgt, %get3A_1391, %gt3A_1393 : vector<16xi32>
      %gt3A_1395 = arith.constant 8.000000e-01 : f32
      %gt3A_1396 = vector.broadcast %gt3A_1395 : f32 to vector<16xf32>
      %gt3A_1397 = arith.cmpf ogt, %gather3A_1389, %gt3A_1396 : vector<16xf32>
      %eq3A_1398 = arith.xori %gt3A_1397, %gt3A_1394 : vector<16xi1>
      %eq3A_1399 = arith.constant dense<true> : vector<16xi1>
      %eq3A_1400 = arith.xori %eq3A_1398, %eq3A_1399 : vector<16xi1>
      %and3A_1401 = arith.andi %and3A_1383, %eq3A_1400 : vector<16xi1>
      %add3A_1402 = arith.constant 235 : i32
      %add3A_1403 = vector.broadcast %add3A_1402 : i32 to vector<16xi32>
      %add3A_1404 = arith.addi %mul3A_5, %add3A_1403 : vector<16xi32>
      %broadcast_in_dim3A_1405 = arith.constant 10 : i32
      %broadcast_in_dim3A_1406 = vector.broadcast %broadcast_in_dim3A_1405 : i32 to vector<16xi32>
      %gather3A_1407 = tpu.vector_load_idx %arg7[%add3A_1404, %broadcast_in_dim3A_1406] : memref<4096x16xf32, #tpu.memory_space<vmem>>[vector<16xi32>, vector<16xi32>], vector<16xf32>,
      %get3A_1408 = arith.constant 928 : index
      %get3A_1409 = tpu.vector_load %arg9[%get3A_1408] {strides = array<i32>} : memref<1024xi32, #tpu.memory_space<vmem>>, vector<16xi32>,
      %gt3A_1410 = arith.constant 0 : i32
      %gt3A_1411 = vector.broadcast %gt3A_1410 : i32 to vector<16xi32>
      %gt3A_1412 = arith.cmpi sgt, %get3A_1409, %gt3A_1411 : vector<16xi32>
      %gt3A_1413 = arith.constant 8.000000e-01 : f32
      %gt3A_1414 = vector.broadcast %gt3A_1413 : f32 to vector<16xf32>
      %gt3A_1415 = arith.cmpf ogt, %gather3A_1407, %gt3A_1414 : vector<16xf32>
      %eq3A_1416 = arith.xori %gt3A_1415, %gt3A_1412 : vector<16xi1>
      %eq3A_1417 = arith.constant dense<true> : vector<16xi1>
      %eq3A_1418 = arith.xori %eq3A_1416, %eq3A_1417 : vector<16xi1>
      %and3A_1419 = arith.andi %and3A_1401, %eq3A_1418 : vector<16xi1>
      %add3A_1420 = arith.constant 239 : i32
      %add3A_1421 = vector.broadcast %add3A_1420 : i32 to vector<16xi32>
      %add3A_1422 = arith.addi %mul3A_5, %add3A_1421 : vector<16xi32>
      %broadcast_in_dim3A_1423 = arith.constant 11 : i32
      %broadcast_in_dim3A_1424 = vector.broadcast %broadcast_in_dim3A_1423 : i32 to vector<16xi32>
      %gather3A_1425 = tpu.vector_load_idx %arg7[%add3A_1422, %broadcast_in_dim3A_1424] : memref<4096x16xf32, #tpu.memory_space<vmem>>[vector<16xi32>, vector<16xi32>], vector<16xf32>,
      %get3A_1426 = arith.constant 944 : index
      %get3A_1427 = tpu.vector_load %arg9[%get3A_1426] {strides = array<i32>} : memref<1024xi32, #tpu.memory_space<vmem>>, vector<16xi32>,
      %gt3A_1428 = arith.constant 0 : i32
      %gt3A_1429 = vector.broadcast %gt3A_1428 : i32 to vector<16xi32>
      %gt3A_1430 = arith.cmpi sgt, %get3A_1427, %gt3A_1429 : vector<16xi32>
      %gt3A_1431 = arith.constant 8.000000e-01 : f32
      %gt3A_1432 = vector.broadcast %gt3A_1431 : f32 to vector<16xf32>
      %gt3A_1433 = arith.cmpf ogt, %gather3A_1425, %gt3A_1432 : vector<16xf32>
      %eq3A_1434 = arith.xori %gt3A_1433, %gt3A_1430 : vector<16xi1>
      %eq3A_1435 = arith.constant dense<true> : vector<16xi1>
      %eq3A_1436 = arith.xori %eq3A_1434, %eq3A_1435 : vector<16xi1>
      %and3A_1437 = arith.andi %and3A_1419, %eq3A_1436 : vector<16xi1>
      %add3A_1438 = arith.constant 243 : i32
      %add3A_1439 = vector.broadcast %add3A_1438 : i32 to vector<16xi32>
      %add3A_1440 = arith.addi %mul3A_5, %add3A_1439 : vector<16xi32>
      %broadcast_in_dim3A_1441 = arith.constant 12 : i32
      %broadcast_in_dim3A_1442 = vector.broadcast %broadcast_in_dim3A_1441 : i32 to vector<16xi32>
      %gather3A_1443 = tpu.vector_load_idx %arg7[%add3A_1440, %broadcast_in_dim3A_1442] : memref<4096x16xf32, #tpu.memory_space<vmem>>[vector<16xi32>, vector<16xi32>], vector<16xf32>,
      %get3A_1444 = arith.constant 960 : index
      %get3A_1445 = tpu.vector_load %arg9[%get3A_1444] {strides = array<i32>} : memref<1024xi32, #tpu.memory_space<vmem>>, vector<16xi32>,
      %gt3A_1446 = arith.constant 0 : i32
      %gt3A_1447 = vector.broadcast %gt3A_1446 : i32 to vector<16xi32>
      %gt3A_1448 = arith.cmpi sgt, %get3A_1445, %gt3A_1447 : vector<16xi32>
      %gt3A_1449 = arith.constant 8.000000e-01 : f32
      %gt3A_1450 = vector.broadcast %gt3A_1449 : f32 to vector<16xf32>
      %gt3A_1451 = arith.cmpf ogt, %gather3A_1443, %gt3A_1450 : vector<16xf32>
      %eq3A_1452 = arith.xori %gt3A_1451, %gt3A_1448 : vector<16xi1>
      %eq3A_1453 = arith.constant dense<true> : vector<16xi1>
      %eq3A_1454 = arith.xori %eq3A_1452, %eq3A_1453 : vector<16xi1>
      %and3A_1455 = arith.andi %and3A_1437, %eq3A_1454 : vector<16xi1>
      %add3A_1456 = arith.constant 247 : i32
      %add3A_1457 = vector.broadcast %add3A_1456 : i32 to vector<16xi32>
      %add3A_1458 = arith.addi %mul3A_5, %add3A_1457 : vector<16xi32>
      %broadcast_in_dim3A_1459 = arith.constant 13 : i32
      %broadcast_in_dim3A_1460 = vector.broadcast %broadcast_in_dim3A_1459 : i32 to vector<16xi32>
      %gather3A_1461 = tpu.vector_load_idx %arg7[%add3A_1458, %broadcast_in_dim3A_1460] : memref<4096x16xf32, #tpu.memory_space<vmem>>[vector<16xi32>, vector<16xi32>], vector<16xf32>,
      %get3A_1462 = arith.constant 976 : index
      %get3A_1463 = tpu.vector_load %arg9[%get3A_1462] {strides = array<i32>} : memref<1024xi32, #tpu.memory_space<vmem>>, vector<16xi32>,
      %gt3A_1464 = arith.constant 0 : i32
      %gt3A_1465 = vector.broadcast %gt3A_1464 : i32 to vector<16xi32>
      %gt3A_1466 = arith.cmpi sgt, %get3A_1463, %gt3A_1465 : vector<16xi32>
      %gt3A_1467 = arith.constant 8.000000e-01 : f32
      %gt3A_1468 = vector.broadcast %gt3A_1467 : f32 to vector<16xf32>
      %gt3A_1469 = arith.cmpf ogt, %gather3A_1461, %gt3A_1468 : vector<16xf32>
      %eq3A_1470 = arith.xori %gt3A_1469, %gt3A_1466 : vector<16xi1>
      %eq3A_1471 = arith.constant dense<true> : vector<16xi1>
      %eq3A_1472 = arith.xori %eq3A_1470, %eq3A_1471 : vector<16xi1>
      %and3A_1473 = arith.andi %and3A_1455, %eq3A_1472 : vector<16xi1>
      %add3A_1474 = arith.constant 251 : i32
      %add3A_1475 = vector.broadcast %add3A_1474 : i32 to vector<16xi32>
      %add3A_1476 = arith.addi %mul3A_5, %add3A_1475 : vector<16xi32>
      %broadcast_in_dim3A_1477 = arith.constant 14 : i32
      %broadcast_in_dim3A_1478 = vector.broadcast %broadcast_in_dim3A_1477 : i32 to vector<16xi32>
      %gather3A_1479 = tpu.vector_load_idx %arg7[%add3A_1476, %broadcast_in_dim3A_1478] : memref<4096x16xf32, #tpu.memory_space<vmem>>[vector<16xi32>, vector<16xi32>], vector<16xf32>,
      %get3A_1480 = arith.constant 992 : index
      %get3A_1481 = tpu.vector_load %arg9[%get3A_1480] {strides = array<i32>} : memref<1024xi32, #tpu.memory_space<vmem>>, vector<16xi32>,
      %gt3A_1482 = arith.constant 0 : i32
      %gt3A_1483 = vector.broadcast %gt3A_1482 : i32 to vector<16xi32>
      %gt3A_1484 = arith.cmpi sgt, %get3A_1481, %gt3A_1483 : vector<16xi32>
      %gt3A_1485 = arith.constant 8.000000e-01 : f32
      %gt3A_1486 = vector.broadcast %gt3A_1485 : f32 to vector<16xf32>
      %gt3A_1487 = arith.cmpf ogt, %gather3A_1479, %gt3A_1486 : vector<16xf32>
      %eq3A_1488 = arith.xori %gt3A_1487, %gt3A_1484 : vector<16xi1>
      %eq3A_1489 = arith.constant dense<true> : vector<16xi1>
      %eq3A_1490 = arith.xori %eq3A_1488, %eq3A_1489 : vector<16xi1>
      %and3A_1491 = arith.andi %and3A_1473, %eq3A_1490 : vector<16xi1>
      %add3A_1492 = arith.constant 255 : i32
      %add3A_1493 = vector.broadcast %add3A_1492 : i32 to vector<16xi32>
      %add3A_1494 = arith.addi %mul3A_5, %add3A_1493 : vector<16xi32>
      %broadcast_in_dim3A_1495 = arith.constant 15 : i32
      %broadcast_in_dim3A_1496 = vector.broadcast %broadcast_in_dim3A_1495 : i32 to vector<16xi32>
      %gather3A_1497 = tpu.vector_load_idx %arg7[%add3A_1494, %broadcast_in_dim3A_1496] : memref<4096x16xf32, #tpu.memory_space<vmem>>[vector<16xi32>, vector<16xi32>], vector<16xf32>,
      %get3A_1498 = arith.constant 1008 : index
      %get3A_1499 = tpu.vector_load %arg9[%get3A_1498] {strides = array<i32>} : memref<1024xi32, #tpu.memory_space<vmem>>, vector<16xi32>,
      %gt3A_1500 = arith.constant 0 : i32
      %gt3A_1501 = vector.broadcast %gt3A_1500 : i32 to vector<16xi32>
      %gt3A_1502 = arith.cmpi sgt, %get3A_1499, %gt3A_1501 : vector<16xi32>
      %gt3A_1503 = arith.constant 8.000000e-01 : f32
      %gt3A_1504 = vector.broadcast %gt3A_1503 : f32 to vector<16xf32>
      %gt3A_1505 = arith.cmpf ogt, %gather3A_1497, %gt3A_1504 : vector<16xf32>
      %eq3A_1506 = arith.xori %gt3A_1505, %gt3A_1502 : vector<16xi1>
      %eq3A_1507 = arith.constant dense<true> : vector<16xi1>
      %eq3A_1508 = arith.xori %eq3A_1506, %eq3A_1507 : vector<16xi1>
      %and3A_1509 = arith.andi %and3A_1491, %eq3A_1508 : vector<16xi1>
      %jit3A = arith.constant 1.000000e+00 : f32
      %jit3A_1510 = arith.constant 0.000000e+00 : f32
      %broadcast_in_dim3A_1511 = vector.broadcast %jit3A : f32 to vector<16xf32>
      %broadcast_in_dim3A_1512 = vector.broadcast %jit3A_1510 : f32 to vector<16xf32>
      %select_n3A = arith.select %and3A_1509, %broadcast_in_dim3A_1511, %broadcast_in_dim3A_1512 : vector<16xi1>, vector<16xf32>
      %mul3A_1513 = arith.constant 16 : i32
      %mul3A_1514 = arith.muli %scan3A_349, %mul3A_1513 : i32
      %swap3A_1515 = arith.index_cast %mul3A_1514 : i32 to index
      %swap3A_1516 = tpu.vector_load %arg13[%swap3A_1515] {strides = array<i32>} : memref<32xf32, #tpu.memory_space<vmem>>, vector<16xf32>,
      tpu.vector_store %arg13[%swap3A_1515], %abs3A {strides = array<i32>} : memref<32xf32, #tpu.memory_space<vmem>>, vector<16xf32>,
      %swap3A_1517 = arith.constant 0 : index
      %swap3A_1518 = tpu.vector_load %arg11[%swap3A_1517] {strides = array<i32>} : memref<16xf32, #tpu.memory_space<vmem>>, vector<16xf32>,
      tpu.vector_store %arg11[%swap3A_1517], %select_n3A {strides = array<i32>} : memref<16xf32, #tpu.memory_space<vmem>>, vector<16xf32>,
      %add3A_1519 = arith.constant 0 : i32
      %add3A_1520 = vector.broadcast %add3A_1519 : i32 to vector<16xi32>
      %add3A_1521 = arith.addi %convert_element_type3A, %add3A_1520 : vector<16xi32>
      %gather3A_1522 = tpu.vector_load_idx %arg11[%add3A_1521] : memref<16xf32, #tpu.memory_space<vmem>>[vector<16xi32>], vector<16xf32>,
      %mul3A_1523 = arith.mulf %gather3A_1522, %div3A : vector<16xf32>
      %mul3A_1524 = arith.constant 16 : i32
      %mul3A_1525 = arith.muli %scan3A_349, %mul3A_1524 : i32
      %mul3A_1526 = arith.constant 8 : i32
      %mul3A_1527 = arith.muli %mul3A_1525, %mul3A_1526 : i32
      %add3A_1528 = arith.constant 0 : i32
      %add3A_1529 = arith.addi %mul3A_1527, %add3A_1528 : i32
      %swap3A_1530 = arith.index_cast %add3A_1529 : i32 to index
      %swap3A_1531 = tpu.vector_load %arg12[%swap3A_1530] {strides = array<i32>} : memref<256xf32, #tpu.memory_space<vmem>>, vector<16xf32>,
      tpu.vector_store %arg12[%swap3A_1530], %mul3A_1523 {strides = array<i32>} : memref<256xf32, #tpu.memory_space<vmem>>, vector<16xf32>,
      %add3A_1532 = arith.constant 2 : i32
      %add3A_1533 = vector.broadcast %add3A_1532 : i32 to vector<16xi32>
      %add3A_1534 = arith.addi %convert_element_type3A, %add3A_1533 : vector<16xi32>
      %gather3A_1535 = tpu.vector_load_idx %arg11[%add3A_1534] : memref<16xf32, #tpu.memory_space<vmem>>[vector<16xi32>], vector<16xf32>,
      %mul3A_1536 = arith.mulf %gather3A_1535, %div3A : vector<16xf32>
      %mul3A_1537 = arith.constant 16 : i32
      %mul3A_1538 = arith.muli %scan3A_349, %mul3A_1537 : i32
      %mul3A_1539 = arith.constant 8 : i32
      %mul3A_1540 = arith.muli %mul3A_1538, %mul3A_1539 : i32
      %add3A_1541 = arith.constant 16 : i32
      %add3A_1542 = arith.addi %mul3A_1540, %add3A_1541 : i32
      %swap3A_1543 = arith.index_cast %add3A_1542 : i32 to index
      %swap3A_1544 = tpu.vector_load %arg12[%swap3A_1543] {strides = array<i32>} : memref<256xf32, #tpu.memory_space<vmem>>, vector<16xf32>,
      tpu.vector_store %arg12[%swap3A_1543], %mul3A_1536 {strides = array<i32>} : memref<256xf32, #tpu.memory_space<vmem>>, vector<16xf32>,
      %add3A_1545 = arith.constant 4 : i32
      %add3A_1546 = vector.broadcast %add3A_1545 : i32 to vector<16xi32>
      %add3A_1547 = arith.addi %convert_element_type3A, %add3A_1546 : vector<16xi32>
      %gather3A_1548 = tpu.vector_load_idx %arg11[%add3A_1547] : memref<16xf32, #tpu.memory_space<vmem>>[vector<16xi32>], vector<16xf32>,
      %mul3A_1549 = arith.mulf %gather3A_1548, %div3A : vector<16xf32>
      %mul3A_1550 = arith.constant 16 : i32
      %mul3A_1551 = arith.muli %scan3A_349, %mul3A_1550 : i32
      %mul3A_1552 = arith.constant 8 : i32
      %mul3A_1553 = arith.muli %mul3A_1551, %mul3A_1552 : i32
      %add3A_1554 = arith.constant 32 : i32
      %add3A_1555 = arith.addi %mul3A_1553, %add3A_1554 : i32
      %swap3A_1556 = arith.index_cast %add3A_1555 : i32 to index
      %swap3A_1557 = tpu.vector_load %arg12[%swap3A_1556] {strides = array<i32>} : memref<256xf32, #tpu.memory_space<vmem>>, vector<16xf32>,
      tpu.vector_store %arg12[%swap3A_1556], %mul3A_1549 {strides = array<i32>} : memref<256xf32, #tpu.memory_space<vmem>>, vector<16xf32>,
      %add3A_1558 = arith.constant 6 : i32
      %add3A_1559 = vector.broadcast %add3A_1558 : i32 to vector<16xi32>
      %add3A_1560 = arith.addi %convert_element_type3A, %add3A_1559 : vector<16xi32>
      %gather3A_1561 = tpu.vector_load_idx %arg11[%add3A_1560] : memref<16xf32, #tpu.memory_space<vmem>>[vector<16xi32>], vector<16xf32>,
      %mul3A_1562 = arith.mulf %gather3A_1561, %div3A : vector<16xf32>
      %mul3A_1563 = arith.constant 16 : i32
      %mul3A_1564 = arith.muli %scan3A_349, %mul3A_1563 : i32
      %mul3A_1565 = arith.constant 8 : i32
      %mul3A_1566 = arith.muli %mul3A_1564, %mul3A_1565 : i32
      %add3A_1567 = arith.constant 48 : i32
      %add3A_1568 = arith.addi %mul3A_1566, %add3A_1567 : i32
      %swap3A_1569 = arith.index_cast %add3A_1568 : i32 to index
      %swap3A_1570 = tpu.vector_load %arg12[%swap3A_1569] {strides = array<i32>} : memref<256xf32, #tpu.memory_space<vmem>>, vector<16xf32>,
      tpu.vector_store %arg12[%swap3A_1569], %mul3A_1562 {strides = array<i32>} : memref<256xf32, #tpu.memory_space<vmem>>, vector<16xf32>,
      %add3A_1571 = arith.constant 8 : i32
      %add3A_1572 = vector.broadcast %add3A_1571 : i32 to vector<16xi32>
      %add3A_1573 = arith.addi %convert_element_type3A, %add3A_1572 : vector<16xi32>
      %gather3A_1574 = tpu.vector_load_idx %arg11[%add3A_1573] : memref<16xf32, #tpu.memory_space<vmem>>[vector<16xi32>], vector<16xf32>,
      %mul3A_1575 = arith.mulf %gather3A_1574, %div3A : vector<16xf32>
      %mul3A_1576 = arith.constant 16 : i32
      %mul3A_1577 = arith.muli %scan3A_349, %mul3A_1576 : i32
      %mul3A_1578 = arith.constant 8 : i32
      %mul3A_1579 = arith.muli %mul3A_1577, %mul3A_1578 : i32
      %add3A_1580 = arith.constant 64 : i32
      %add3A_1581 = arith.addi %mul3A_1579, %add3A_1580 : i32
      %swap3A_1582 = arith.index_cast %add3A_1581 : i32 to index
      %swap3A_1583 = tpu.vector_load %arg12[%swap3A_1582] {strides = array<i32>} : memref<256xf32, #tpu.memory_space<vmem>>, vector<16xf32>,
      tpu.vector_store %arg12[%swap3A_1582], %mul3A_1575 {strides = array<i32>} : memref<256xf32, #tpu.memory_space<vmem>>, vector<16xf32>,
      %add3A_1584 = arith.constant 10 : i32
      %add3A_1585 = vector.broadcast %add3A_1584 : i32 to vector<16xi32>
      %add3A_1586 = arith.addi %convert_element_type3A, %add3A_1585 : vector<16xi32>
      %gather3A_1587 = tpu.vector_load_idx %arg11[%add3A_1586] : memref<16xf32, #tpu.memory_space<vmem>>[vector<16xi32>], vector<16xf32>,
      %mul3A_1588 = arith.mulf %gather3A_1587, %div3A : vector<16xf32>
      %mul3A_1589 = arith.constant 16 : i32
      %mul3A_1590 = arith.muli %scan3A_349, %mul3A_1589 : i32
      %mul3A_1591 = arith.constant 8 : i32
      %mul3A_1592 = arith.muli %mul3A_1590, %mul3A_1591 : i32
      %add3A_1593 = arith.constant 80 : i32
      %add3A_1594 = arith.addi %mul3A_1592, %add3A_1593 : i32
      %swap3A_1595 = arith.index_cast %add3A_1594 : i32 to index
      %swap3A_1596 = tpu.vector_load %arg12[%swap3A_1595] {strides = array<i32>} : memref<256xf32, #tpu.memory_space<vmem>>, vector<16xf32>,
      tpu.vector_store %arg12[%swap3A_1595], %mul3A_1588 {strides = array<i32>} : memref<256xf32, #tpu.memory_space<vmem>>, vector<16xf32>,
      %add3A_1597 = arith.constant 12 : i32
      %add3A_1598 = vector.broadcast %add3A_1597 : i32 to vector<16xi32>
      %add3A_1599 = arith.addi %convert_element_type3A, %add3A_1598 : vector<16xi32>
      %gather3A_1600 = tpu.vector_load_idx %arg11[%add3A_1599] : memref<16xf32, #tpu.memory_space<vmem>>[vector<16xi32>], vector<16xf32>,
      %mul3A_1601 = arith.mulf %gather3A_1600, %div3A : vector<16xf32>
      %mul3A_1602 = arith.constant 16 : i32
      %mul3A_1603 = arith.muli %scan3A_349, %mul3A_1602 : i32
      %mul3A_1604 = arith.constant 8 : i32
      %mul3A_1605 = arith.muli %mul3A_1603, %mul3A_1604 : i32
      %add3A_1606 = arith.constant 96 : i32
      %add3A_1607 = arith.addi %mul3A_1605, %add3A_1606 : i32
      %swap3A_1608 = arith.index_cast %add3A_1607 : i32 to index
      %swap3A_1609 = tpu.vector_load %arg12[%swap3A_1608] {strides = array<i32>} : memref<256xf32, #tpu.memory_space<vmem>>, vector<16xf32>,
      tpu.vector_store %arg12[%swap3A_1608], %mul3A_1601 {strides = array<i32>} : memref<256xf32, #tpu.memory_space<vmem>>, vector<16xf32>,
      %add3A_1610 = arith.constant 14 : i32
      %add3A_1611 = vector.broadcast %add3A_1610 : i32 to vector<16xi32>
      %add3A_1612 = arith.addi %convert_element_type3A, %add3A_1611 : vector<16xi32>
      %gather3A_1613 = tpu.vector_load_idx %arg11[%add3A_1612] : memref<16xf32, #tpu.memory_space<vmem>>[vector<16xi32>], vector<16xf32>,
      %mul3A_1614 = arith.mulf %gather3A_1613, %div3A : vector<16xf32>
      %mul3A_1615 = arith.constant 16 : i32
      %mul3A_1616 = arith.muli %scan3A_349, %mul3A_1615 : i32
      %mul3A_1617 = arith.constant 8 : i32
      %mul3A_1618 = arith.muli %mul3A_1616, %mul3A_1617 : i32
      %add3A_1619 = arith.constant 112 : i32
      %add3A_1620 = arith.addi %mul3A_1618, %add3A_1619 : i32
      %swap3A_1621 = arith.index_cast %add3A_1620 : i32 to index
      %swap3A_1622 = tpu.vector_load %arg12[%swap3A_1621] {strides = array<i32>} : memref<256xf32, #tpu.memory_space<vmem>>, vector<16xf32>,
      tpu.vector_store %arg12[%swap3A_1621], %mul3A_1614 {strides = array<i32>} : memref<256xf32, #tpu.memory_space<vmem>>, vector<16xf32>,
    }
    %scan3A_342 = arith.constant 2 : i32
    %mul3A_343 = arith.constant 32 : i32
    %mul3A_344 = arith.muli %add3A, %mul3A_343 : i32
    "tpu.region"() ({
      %run_scoped3A = tpu.sem_alloc : memref<!tpu.dma_semaphore, #tpu.memory_space<semaphore_mem>>
      %dma_start3A = tpu.memref_slice %arg6[%mul3A_344] : memref<1024xf32, #tpu.memory_space<hbm>> -> memref<32xf32, #tpu.memory_space<hbm>>
      %dma_start3A_349 = tpu.memref_slice %arg6[%mul3A_344] : memref<1024xf32, #tpu.memory_space<hbm>> -> memref<32xf32, #tpu.memory_space<hbm>>
      tpu.enqueue_dma source(%arg13 : memref<32xf32, #tpu.memory_space<vmem>>) target(%dma_start3A_349 : memref<32xf32, #tpu.memory_space<hbm>>) target_semaphore(%run_scoped3A : memref<!tpu.dma_semaphore, #tpu.memory_space<semaphore_mem>>)
      %dma_wait3A = tpu.memref_slice %arg6[%mul3A_344] : memref<1024xf32, #tpu.memory_space<hbm>> -> memref<32xf32, #tpu.memory_space<hbm>>
      %dma_wait3A_350 = tpu.memref_slice %arg6[%mul3A_344] : memref<1024xf32, #tpu.memory_space<hbm>> -> memref<32xf32, #tpu.memory_space<hbm>>
      tpu.wait_dma2 semaphore(%run_scoped3A : memref<!tpu.dma_semaphore, #tpu.memory_space<semaphore_mem>>) src(%arg13 : memref<32xf32, #tpu.memory_space<vmem>>) dst(%dma_wait3A_350 : memref<32xf32, #tpu.memory_space<hbm>>)
      tpu.yield
    }) : () -> ()
    %mul3A_345 = arith.constant 32 : i32
    %mul3A_346 = arith.muli %add3A, %mul3A_345 : i32
    %mul3A_347 = arith.constant 8 : i32
    %mul3A_348 = arith.muli %mul3A_346, %mul3A_347 : i32
    "tpu.region"() ({
      %run_scoped3A = tpu.sem_alloc : memref<!tpu.dma_semaphore, #tpu.memory_space<semaphore_mem>>
      %dma_start3A = tpu.memref_slice %arg5[%mul3A_348] : memref<8192xf32, #tpu.memory_space<hbm>> -> memref<256xf32, #tpu.memory_space<hbm>>
      %dma_start3A_349 = tpu.memref_slice %arg5[%mul3A_348] : memref<8192xf32, #tpu.memory_space<hbm>> -> memref<256xf32, #tpu.memory_space<hbm>>
      tpu.enqueue_dma source(%arg12 : memref<256xf32, #tpu.memory_space<vmem>>) target(%dma_start3A_349 : memref<256xf32, #tpu.memory_space<hbm>>) target_semaphore(%run_scoped3A : memref<!tpu.dma_semaphore, #tpu.memory_space<semaphore_mem>>)
      %dma_wait3A = tpu.memref_slice %arg5[%mul3A_348] : memref<8192xf32, #tpu.memory_space<hbm>> -> memref<256xf32, #tpu.memory_space<hbm>>
      %dma_wait3A_350 = tpu.memref_slice %arg5[%mul3A_348] : memref<8192xf32, #tpu.memory_space<hbm>> -> memref<256xf32, #tpu.memory_space<hbm>>
      tpu.wait_dma2 semaphore(%run_scoped3A : memref<!tpu.dma_semaphore, #tpu.memory_space<semaphore_mem>>) src(%arg12 : memref<256xf32, #tpu.memory_space<vmem>>) dst(%dma_wait3A_350 : memref<256xf32, #tpu.memory_space<hbm>>)
      tpu.yield
    }) : () -> ()
    return
  }
}

module attributes {stable_mosaic.version = 14 : i64} {
  func.func @_tc_body(%arg0: i32, %arg1: memref<512x4096xf32, #tpu.memory_space<vmem>>, %arg2: memref<1x8xf32, #tpu.memory_space<vmem>>, %arg3: memref<1x4096xi32, #tpu.memory_space<vmem>>, %arg4: memref<4096x1xf32, #tpu.memory_space<vmem>>, %arg5: memref<512x8xf32, #tpu.memory_space<vmem>>, %arg6: memref<512x1xf32, #tpu.memory_space<vmem>>) attributes {dimension_semantics = [#tpu.dimension_semantics<arbitrary>], iteration_bounds = array<i64: 30>, scalar_prefetch = 0 : i64, scratch_operands = 0 : i64, tpu.core_type = #tpu.core_type<tc>, window_params = [{transform_indices = @transform_0, window_bounds = array<i64: 512, 4096>}, {pipeline_mode = #tpu.pipeline_mode<synchronous>, transform_indices = @transform_1, window_bounds = array<i64: 1, 8>}, {pipeline_mode = #tpu.pipeline_mode<synchronous>, transform_indices = @transform_2, window_bounds = array<i64: 1, 4096>}, {pipeline_mode = #tpu.pipeline_mode<synchronous>, transform_indices = @transform_3, window_bounds = array<i64: 4096, 1>}, {transform_indices = @transform_4, window_bounds = array<i64: 512, 8>}, {transform_indices = @transform_5, window_bounds = array<i64: 512, 1>}]} {
    %get3A = arith.constant 0 : index
    %get3A_0 = arith.constant 0 : index
    %get3A_1 = vector.load %arg1[%get3A, %get3A_0] : memref<512x4096xf32, #tpu.memory_space<vmem>>, vector<512x4096xf32>
    %gt3A = arith.constant 8.000000e-01 : f32
    %gt3A_2 = vector.broadcast %gt3A : f32 to vector<512x4096xf32>
    %gt3A_3 = arith.cmpf ogt, %get3A_1, %gt3A_2 : vector<512x4096xf32>
    %get3A_4 = arith.constant 0 : index
    %get3A_5 = arith.constant 0 : index
    %get3A_6 = vector.load %arg3[%get3A_4, %get3A_5] : memref<1x4096xi32, #tpu.memory_space<vmem>>, vector<1x4096xi32>
    %gt3A_7 = arith.constant 0 : i32
    %gt3A_8 = vector.broadcast %gt3A_7 : i32 to vector<1x4096xi32>
    %gt3A_9 = arith.cmpi sgt, %get3A_6, %gt3A_8 : vector<1x4096xi32>
    %eq3A = vector.broadcast %gt3A_9 : vector<1x4096xi1> to vector<512x4096xi1>
    %eq3A_10 = vector.broadcast %eq3A : vector<512x4096xi1> to vector<512x4096xi1>
    %eq3A_11 = arith.xori %gt3A_3, %eq3A_10 : vector<512x4096xi1>
    %eq3A_12 = arith.constant dense<true> : vector<512x4096xi1>
    %eq3A_13 = arith.xori %eq3A_11, %eq3A_12 : vector<512x4096xi1>
    %convert_element_type3A = arith.extui %eq3A_13 : vector<512x4096xi1> to vector<512x4096xi32>
    %convert_element_type3A_14 = arith.sitofp %convert_element_type3A : vector<512x4096xi32> to vector<512x4096xf32>
    %get3A_15 = arith.constant 0 : index
    %get3A_16 = arith.constant 0 : index
    %get3A_17 = vector.load %arg4[%get3A_15, %get3A_16] : memref<4096x1xf32, #tpu.memory_space<vmem>>, vector<4096x1xf32>
    %dot_general3A = arith.constant dense<0.000000e+00> : vector<512x1xf32>
    %dot_general3A_18 = tpu.matmul %convert_element_type3A_14, %get3A_17, %dot_general3A {dimension_numbers = #tpu.dot_dimension_numbers<[1], [0], [0], [1], [0, 0, 1, 1], [], []>, transpose_lhs_hint = false} : vector<512x4096xf32>, vector<4096x1xf32>, vector<512x1xf32> -> vector<512x1xf32>
    %gt3A_19 = arith.constant 6.350000e+01 : f32
    %gt3A_20 = vector.broadcast %gt3A_19 : f32 to vector<512x1xf32>
    %gt3A_21 = arith.cmpf ogt, %dot_general3A_18, %gt3A_20 : vector<512x1xf32>
    %slice3A = vector.extract_strided_slice %get3A_1 {offsets = [0, 0], sizes = [512, 1], strides = [1, 1]} : vector<512x4096xf32> to vector<512x1xf32>
    %slice3A_22 = vector.extract_strided_slice %get3A_1 {offsets = [0, 64], sizes = [512, 1], strides = [1, 1]} : vector<512x4096xf32> to vector<512x1xf32>
    %sub3A = arith.subf %slice3A, %slice3A_22 : vector<512x1xf32>
    %abs3A = math.absf %sub3A : vector<512x1xf32>
    %lt3A = arith.constant 1.000000e-01 : f32
    %lt3A_23 = vector.broadcast %lt3A : f32 to vector<512x1xf32>
    %lt3A_24 = arith.cmpf olt, %abs3A, %lt3A_23 : vector<512x1xf32>
    %and3A = arith.andi %gt3A_21, %lt3A_24 : vector<512x1xi1>
    %jit3A = arith.constant 1.000000e+00 : f32
    %jit3A_25 = arith.constant 0.000000e+00 : f32
    %broadcast_in_dim3A = vector.broadcast %jit3A : f32 to vector<512x1xf32>
    %broadcast_in_dim3A_26 = vector.broadcast %jit3A_25 : f32 to vector<512x1xf32>
    %select_n3A = arith.select %and3A, %broadcast_in_dim3A, %broadcast_in_dim3A_26 : vector<512x1xi1>, vector<512x1xf32>
    %swap3A = arith.constant 0 : index
    %swap3A_27 = arith.constant 0 : index
    %swap3A_28 = vector.load %arg6[%swap3A, %swap3A_27] : memref<512x1xf32, #tpu.memory_space<vmem>>, vector<512x1xf32>
    tpu.vector_store %arg6[%swap3A, %swap3A_27], %abs3A {strides = array<i32>} : memref<512x1xf32, #tpu.memory_space<vmem>>, vector<512x1xf32>,
    %get3A_29 = arith.constant 0 : index
    %get3A_30 = arith.constant 0 : index
    %get3A_31 = vector.load %arg2[%get3A_29, %get3A_30] : memref<1x8xf32, #tpu.memory_space<vmem>>, vector<1x8xf32>
    %get3A_32 = arith.constant 0 : index
    %get3A_33 = arith.constant 0 : index
    %get3A_34 = vector.load %arg2[%get3A_32, %get3A_33] : memref<1x8xf32, #tpu.memory_space<vmem>>, vector<1x8xf32>
    %add3A = arith.constant 9.99999968E-21 : f32
    %add3A_35 = vector.broadcast %add3A : f32 to vector<1x8xf32>
    %add3A_36 = arith.addf %get3A_34, %add3A_35 : vector<1x8xf32>
    %div3A = arith.divf %get3A_31, %add3A_36 : vector<1x8xf32>
    %mul3A = vector.broadcast %select_n3A : vector<512x1xf32> to vector<512x8xf32>
    %mul3A_37 = vector.broadcast %div3A : vector<1x8xf32> to vector<512x8xf32>
    %mul3A_38 = arith.mulf %mul3A, %mul3A_37 : vector<512x8xf32>
    %swap3A_39 = arith.constant 0 : index
    %swap3A_40 = arith.constant 0 : index
    %swap3A_41 = vector.load %arg5[%swap3A_39, %swap3A_40] : memref<512x8xf32, #tpu.memory_space<vmem>>, vector<512x8xf32>
    tpu.vector_store %arg5[%swap3A_39, %swap3A_40], %mul3A_38 {strides = array<i32>} : memref<512x8xf32, #tpu.memory_space<vmem>>, vector<512x8xf32>,
    return
  }
  func.func @transform_0(%arg0: i32) -> (i32, i32) {
    %c0_i32 = arith.constant 0 : i32
    %c0_i32_0 = arith.constant 0 : i32
    return %arg0, %c0_i32 : i32, i32
  }
  func.func @transform_1(%arg0: i32) -> (i32, i32) {
    %c0_i32 = arith.constant 0 : i32
    %c0_i32_0 = arith.constant 0 : i32
    %c0_i32_1 = arith.constant 0 : i32
    return %c0_i32, %c0_i32_0 : i32, i32
  }
  func.func @transform_2(%arg0: i32) -> (i32, i32) {
    %c0_i32 = arith.constant 0 : i32
    %c0_i32_0 = arith.constant 0 : i32
    %c0_i32_1 = arith.constant 0 : i32
    return %c0_i32, %c0_i32_0 : i32, i32
  }
  func.func @transform_3(%arg0: i32) -> (i32, i32) {
    %c0_i32 = arith.constant 0 : i32
    %c0_i32_0 = arith.constant 0 : i32
    %c0_i32_1 = arith.constant 0 : i32
    return %c0_i32, %c0_i32_0 : i32, i32
  }
  func.func @transform_4(%arg0: i32) -> (i32, i32) {
    %c0_i32 = arith.constant 0 : i32
    %c0_i32_0 = arith.constant 0 : i32
    return %arg0, %c0_i32 : i32, i32
  }
  func.func @transform_5(%arg0: i32) -> (i32, i32) {
    %c0_i32 = arith.constant 0 : i32
    %c0_i32_0 = arith.constant 0 : i32
    return %arg0, %c0_i32 : i32, i32
  }
}

</mosaic_0001>

<sc_bundles>
// kernel: run.4.cloned.1.call-start
scs
__scs_entry_jumppad:
0x0: {  	(pc) =	sbr.rel $0x88, $3  }
0x1: {  	(tag) =	ssettag $0x0;
	lr =	simm.s32 $0x1  }
0x2: {  	[smem:$0x3F9B] =	sst lr;
	_ =	strace $0xD0000000  }
0x3: {  	_ = 	snop  }
0x4: {  	_ = 	snop  }
0x5: {  	_ = 	snop  }
0x6: {  	_ = 	snop  }
0x7: {  	_ = 	snop  }
__scs_overlays_trampoline_lowered:
0x8: {  	[smem:$0x3FAA] =	sst s0  }
0x9: {  	[smem:$0x3FAB] =	sst s1  }
0xa: {  	[smem:$0x3FAC] =	sst s2  }
0xb: {  	[smem:$0x3FAD] =	sst s3  }
0xc: {  	[smem:$0x3FAE] =	sst s4  }
0xd: {  	[smem:$0x3FAF] =	sst s5  }
0xe: {  	[smem:$0x3FB0] =	sst s6  }
0xf: {  	[smem:$0x3FB1] =	sst s7  }
0x10: {  	[smem:$0x3FB2] =	sst s8  }
0x11: {  	[smem:$0x3FB3] =	sst s9;
	s0 =	simm.s32 @!p0 $0x0  }
0x12: {  	s1 =	sld [smem:$0x3F99];
	s0 =	simm.s32 @p0 $0x1  }
0x13: {  	[smem:$0x3FB4] =	sst s0;
	s0 =	simm.s32 @!p1 $0x0  }
0x14: {  	s2 =	sld [smem:$0x3F98];
	s0 =	simm.s32 @p1 $0x1  }
0x15: {  	[smem:$0x3FB5] =	sst s0;
	s0 =	simm.s32 @!p2 $0x0  }
0x16: {  	s3 =	sld [smem:$0x3FDB];
	s0 =	simm.s32 @p2 $0x1  }
0x17: {  	s4 =	simm.s32 $0x1BF5;
	[smem:$0x3FB7] =	sst s0  }
0x18: {  	s0 =	sld [smem:$0x3F9A];
	_ =	swait.ge [sflag:s4], $0x0  }
0x19: {  	s7 =	sld [smem:$0x3F9B]  }
0x1a: {  	s8 =	sadd.s32 $0xFFFFE003, lr  }
0x1b: {  	s9 =	sadd.s32 $0xFFFFFEF7, lr;
	s5 =	simm.s32 $0xFFFFFFFF;
	p2 =	slt.u32 s8, $0xFFFFF086  }
0x1c: {  	p1 =	slt.u32 s9, $0xF7A;
	s5 =	simm.s32 @!p2 $0x0  }
0x1d: {  	s5 =	simm.s32 @p1 $0x1;
	p0 =	seq.s32 s7, s2  }
0x1e: {  	s7 =	smul.u32 @!p0 $0xF7A, s2;
	p2 =	seq.s32 @!p0 s5, $0x0  }
0x1f: {  	s9 =	smul.u32 $0xF7A, s1;
	s8 =	simm.s32 @!p0 $0x1BF5;
	p2 =	por !p2, p0  }
0x20: {  	[sflag:s8] =	ssyncset.s32 @!p0 $0xFFFFF086;
	s6 =	sadd.s32 @!p0 s3, s7;
	s7 =	simm.s32 @!p0 $0x108  }
0x21: {  	s3 =	sadd.s32 s3, s9;
	s6 =	sadd.s32 @!p0 $0x88, s6;
	s7 =	simm.s32 @p2 $0x1082  }
0x22: {  	[simem:s7], [sflag:s8] =	dma.local @!p0 [hbm:s6], $0xF7A  }
0x23: {  	s9 =	sor.u32 $0xD0000000, s2;
	s6 =	simm.s32 $0x108;
	_ =	swait.ge @!p0 [sflag:s8], $0x0  }
0x24: {  	s3 =	sadd.s32 $0x88, s3;
	s6 =	simm.s32 @!p1 $0x1082;
	[sflag:s4] =	ssyncset.s32 $0xFFFFF086  }
0x25: {  	[simem:s6], [sflag:s4] =	dma.local [hbm:s3], $0xF7A  }
0x26: {  	[smem:$0x3F9B] =	sst s1;
	(tag) =	ssettag s2;
	_ =	strace s9  }
0x27: {  	s1 =	sld [smem:$0x3FAB]  }
0x28: {  	s2 =	sld [smem:$0x3FAC]  }
0x29: {  	s4 =	sld [smem:$0x3FAE]  }
0x2a: {  	p0 =	seq.s32 s5, $0x0;
	s5 =	sld [smem:$0x3FAF]  }
0x2b: {  	s6 =	sld [smem:$0x3FB0]  }
0x2c: {  	s7 =	sld [smem:$0x3FB1]  }
0x2d: {  	s3 =	simm.s32 $0x108;
	s8 =	sld [smem:$0x3FB2]  }
0x2e: {  	s3 =	simm.s32 @!p0 $0x1082;
	s9 =	sld [smem:$0x3FB3]  }
0x2f: {  	lr =	sadd.s32 s0, s3;
	s0 =	sld [smem:$0x3FAA]  }
0x30: {  	s3 =	sld [smem:$0x3FAD]  }
0x31: {  	[smem:$0x3FB6] =	sst s10  }
0x32: {  	s10 =	sld [smem:$0x3FB4];
	_ =	sdelay $0x3  }
0x33: {  	p0 =	seq.s32 s10, $0x1;
	s10 =	sld [smem:$0x3FB6];
	_ =	sdelay $0x3  }
0x34: {  	[smem:$0x3FB6] =	sst s10  }
0x35: {  	s10 =	sld [smem:$0x3FB5];
	_ =	sdelay $0x3  }
0x36: {  	p1 =	seq.s32 s10, $0x1;
	s10 =	sld [smem:$0x3FB6];
	_ =	sdelay $0x3  }
0x37: {  	[smem:$0x3FB6] =	sst s10  }
0x38: {  	s10 =	sld [smem:$0x3FB7]  }
0x39: {  	_ = 	snop;
	(pc) =	sbr.ind lr, $3  }
0x3a: {  	_ = 	snop  }
0x3b: {  	_ = 	snop  }
0x3c: {  	p2 =	seq.s32 s10, $0x1;
	s10 =	sld [smem:$0x3FB6]  }
0x3d: {  	_ =	shalt  }
0x3e: {  	_ =	shalt  }
0x3f: {  	_ =	shalt  }
0x40: {  	_ =	shalt  }
0x41: {  	_ =	shalt  }
0x42: {  	_ =	shalt  }
0x43: {  	_ =	shalt  }
0x44: {  	_ =	shalt  }
0x45: {  	_ =	shalt  }
0x46: {  	_ =	shalt  }
0x47: {  	_ =	shalt  }
0x48: {  	_ =	shalt  }
0x49: {  	_ =	shalt  }
0x4a: {  	_ =	shalt  }
0x4b: {  	_ =	shalt  }
0x4c: {  	_ =	shalt  }
0x4d: {  	_ =	shalt  }
0x4e: {  	_ =	shalt  }
0x4f: {  	_ =	shalt  }
0x50: {  	_ =	shalt  }
0x51: {  	_ =	shalt  }
0x52: {  	_ =	shalt  }
0x53: {  	_ =	shalt  }
0x54: {  	_ =	shalt  }
0x55: {  	_ =	shalt  }
0x56: {  	_ =	shalt  }
0x57: {  	_ =	shalt  }
0x58: {  	_ =	shalt  }
0x59: {  	_ =	shalt  }
0x5a: {  	_ =	shalt  }
0x5b: {  	_ =	shalt  }
0x5c: {  	_ =	shalt  }
0x5d: {  	_ =	shalt  }
0x5e: {  	_ =	shalt  }
0x5f: {  	_ =	shalt  }
0x60: {  	_ =	shalt  }
0x61: {  	_ =	shalt  }
0x62: {  	_ =	shalt  }
0x63: {  	_ =	shalt  }
0x64: {  	_ =	shalt  }
0x65: {  	_ =	shalt  }
0x66: {  	_ =	shalt  }
0x67: {  	_ =	shalt  }
0x68: {  	_ =	shalt  }
0x69: {  	_ =	shalt  }
0x6a: {  	_ =	shalt  }
0x6b: {  	_ =	shalt  }
0x6c: {  	_ =	shalt  }
0x6d: {  	_ =	shalt  }
0x6e: {  	_ =	shalt  }
0x6f: {  	_ =	shalt  }
0x70: {  	_ =	shalt  }
0x71: {  	_ =	shalt  }
0x72: {  	_ =	shalt  }
0x73: {  	_ =	shalt  }
0x74: {  	_ =	shalt  }
0x75: {  	_ =	shalt  }
0x76: {  	_ =	shalt  }
0x77: {  	_ =	shalt  }
0x78: {  	_ =	shalt  }
0x79: {  	_ =	shalt  }
0x7a: {  	_ =	shalt  }
0x7b: {  	_ =	shalt  }
0x7c: {  	_ =	shalt  }
0x7d: {  	_ =	shalt  }
0x7e: {  	_ =	shalt  }
0x7f: {  	_ =	shalt  }
0x80: {  	_ =	shalt  }
0x81: {  	_ =	shalt  }
0x82: {  	_ =	shalt  }
0x83: {  	_ =	shalt  }
0x84: {  	_ =	shalt  }
0x85: {  	_ =	shalt  }
0x86: {  	_ =	shalt  }
0x87: {  	_ =	shalt  }
.Lfunc_end0:
.L_simem_size_0:
called_computation_lowered:
.L_overlay_start_0:
0x88: {  	s2 =	sld [smem:$0x3FD9]  }
0x89: {  	s3 =	sld [smem:$0x3FFE];
	_ =	sdelay $0x1  }
0x8a: {  	s1 =	srdreg.scid  }
0x8b: {  	s0 =	sand.u32 $0x1, s1  }
0x8c: {  	s14 =	sshll.u32 s0, $0xA;
	s2 =	sadd.s32 s3, s2  }
0x8d: {  	s2 =	sadd.s32 s2, s14  }
0x8e: {  	[smem:$0x3FC2] =	sst s2  }
0x8f: {  	_ = 	snop  }
0x90: {  	s2 =	sld [smem:$0x3FD0];
	_ =	sdelay $0x1  }
0x91: {  	s15 =	sld [smem:$0x3FC8]  }
0x92: {  	s5 =	simm.s32 $0xA;
	s6 =	simm.s32 $0x10;
	s4 =	sld [smem:$0x3FC7]  }
0x93: {  	[smem:s6], [sflag:s5] =	dma.local [hbm:s2], $0x1  }
0x94: {  	_ =	swait.eq [sflag:s5], $0x1  }
0x95: {  	[sflag:s5] =	ssyncset.done $0x0  }
0x96: {  	[sflag:s5] =	ssyncadd.s32 $0xFFFFFFFF  }
0x97: {  	s16 =	sld [smem:$0x11];
	(tm) =	ssettm $0x1  }
0x98: {  	s17 =	sld [smem:$0x3FFB];
	_ =	sdelay $0x3  }
0x99: {  	_ =	strace s17  }
0x9a: {  	s5 =	sld [smem:$0x3FFC];
	_ =	sdelay $0x3  }
0x9b: {  	_ =	strace s5  }
0x9c: {  	s5 =	sld [smem:$0x3FFD];
	_ =	sdelay $0x3  }
0x9d: {  	_ =	strace s5  }
0x9e: {  	_ =	strace $0x8FFFFFFF  }
0x9f: {  	s18 =	sld [smem:$0x3FDB];
	_ =	sdelay $0x1  }
0xa0: {  	s19 =	simm.s32 $_scs_section_size  }
0xa1: {  	s7 =	simm.s32 $_size__tile_overlayer_lowered;
	s8 =	simm.s32 $_tile_overlayer_lowered  }
0xa2: {  	s22 =	simm.s32 $0x1BFF;
	s21 =	sshll.u32 s8, $0x1;
	s5 =	sadd.s32 s19, s18  }
0xa3: {  	s9 =	simm.s32 $0x0;
	s20 =	sshll.u32 s7, $0x1;
	s7 =	sadd.s32 s21, s5  }
0xa4: {  	[timem:s9], [sflag:s22] =	dma.local [hbm:s7], s20  }
0xa5: {  	_ =	swait.ge [sflag:s22], s20  }
0xa6: {  	s6 =	ssub.s32 $0x0, s20;
	[sflag:s22] =	ssyncset.done $0x0  }
0xa7: {  	[sflag:s22] =	ssyncadd.s32 s6;
	_ =	sdelay $0x1  }
0xa8: {  	s23 =	simm.s32 $0x1B8B  }
0xa9: {  	_ =	swait.ge [sflag:s23], $0x1  }
0xaa: {  	[sflag:s23] =	ssyncset.done $0x0  }
0xab: {  	s25 =	simm.s32 $0x1B8E;
	s24 =	sld [smem:$0x3FFE];
	[sflag:s23] =	ssyncadd.s32 $0xFFFFFFFF  }
0xac: {  	s26 =	simm.s32 $execute0_lowered;
	[smem:$0x3FD2] =	sst s25  }
0xad: {  	s7 =	sshll.u32 s26, $0x1;
	_ =	strace $0x80000046;
	[dreg:$0x1] =	wrdreg $0xFFFFFFFF  }
0xae: {  	s28 =	simm.s32 $_size_execute0_lowered;
	s5 =	sadd.s32 s5, s7;
	[dreg:$0x0] =	wrdreg $0x0  }
0xaf: {  	s7 =	sshll.u32 s28, $0x1;
	[dreg:$0x2] =	wrdreg s5  }
0xb0: {  	[dreg:$0x3] =	wrdreg s7  }
0xb1: {  	[dreg:$0x4] =	wrdreg $0xC0  }
0xb2: {  	_ =	task [dreg:s9], $0x5FFFF  }
0xb3: {  	[dreg:$0x1] =	wrdreg $0xFFFFFFFF  }
0xb4: {  	[dreg:$0x0] =	wrdreg $0x60  }
0xb5: {  	[dreg:$0x2] =	wrdreg s24  }
0xb6: {  	[dreg:$0x3] =	wrdreg s15  }
0xb7: {  	[dreg:$0x4] =	wrdreg s4  }
0xb8: {  	[dreg:$0x5] =	wrdreg s16  }
0xb9: {  	[dreg:$0x6] =	wrdreg $0x9  }
0xba: {  	_ =	task.clear_ibuf [dreg:s9], $0x7FFFF;
	_ =	strace $0x90000046  }
0xbb: {  	s29 =	simm.s32 $0x9;
	_ =	strace $0x80000048  }
0xbc: {  	_ =	swait.ge [sflag:s29], $0x1  }
0xbd: {  	[sflag:s29] =	ssyncadd.s32 $0xFFFFFFFF  }
0xbe: {  	_ =	strace $0x90000048  }
0xbf: {  	_ =	sfence  }
0xc0: {  	s30 =	sld [smem:$0x0];
	_ =	sdelay $0x2  }
0xc1: {  	s31 =	sshll.u32 s1, $0xD;
	s1 =	sshrl.u32 s1, $0x2  }
0xc2: {  	s3 =	sand.u32 $0x4000, s31;
	s1 =	sadd.s32 s1, s30  }
0xc3: {  	s0 =	sor.u32 s3, s0;
	s1 =	sshll.u32 s1, $0x11  }
0xc4: {  	s0 =	sor.u32 s1, s0  }
0xc5: {  	s0 =	sadd.s32 $0x8F2B, s0  }
0xc6: {  	[sflag:s0] =	ssyncadd.remote.s32 $0x1  }
0xc7: {  	_ =	sfence.sel $0xFFFF  }
0xc8: {  	[dreg:$0x0] =	wrdreg $0xFFFFFFFF;
	(pc) =	sbr.abs _section_cstart, $3  }
0xc9: {  	[dreg:$0x1] =	wrdreg $0xFFFFFFFF  }
0xca: {  	_ =	task.clear_ibuf [dreg:s9], $0x2FFFF;
	_ =	strace $0x9FFFFFFF  }
0xcb: {  	(tm) =	ssettm $0x7FFFFFFF  }
tec
execute0_lowered:
.L_overlay_start_1:
0x0: {  	(tag) =	ssettag $0x1  }
0x1: {  	v0 =	vlaneseq.u32  }
0x2: {  	v1 =	vmul.u32 $0x1000, v0;
	_ =	sdelay $0x1  }
0x3: {  	v0 =	vor.u32 $0x451, v1  }
0x4: {  	[tilespmem:$0x1FE40] =	vst v0;
	v0 =	vor.u32 $0x492, v1  }
0x5: {  	[tilespmem:$0x1FE50] =	vst v0;
	v0 =	vor.u32 $0x4D3, v1  }
0x6: {  	[tilespmem:$0x1FE60] =	vst v0;
	v0 =	vor.u32 $0x514, v1  }
0x7: {  	[tilespmem:$0x1FE70] =	vst v0;
	v0 =	vor.u32 $0x555, v1  }
0x8: {  	[tilespmem:$0x1FE80] =	vst v0;
	v0 =	vor.u32 $0x596, v1  }
0x9: {  	s5 =	rddreg [dreg:$0x0];
	[tilespmem:$0x1FE90] =	vst v0;
	v0 =	vor.u32 $0x5D7, v1  }
0xa: {  	s0 =	rddreg [dreg:$0x1];
	[tilespmem:$0x1FEA0] =	vst v0;
	v0 =	vor.u32 $0x618, v1  }
0xb: {  	s1 =	rddreg [dreg:$0x2];
	[tilespmem:$0x1FEB0] =	vst v0;
	v0 =	vor.u32 $0x659, v1  }
0xc: {  	s7 =	rddreg [dreg:$0x3];
	s4 =	simm.s32 $0x0;
	[tilespmem:$0x1FEC0] =	vst v0;
	v0 =	vor.u32 $0x69A, v1  }
0xd: {  	[smem:$0x7FF] =	sst s4;
	v2 =	vor.u32 $0x40, v1;
	[tilespmem:$0x1FED0] =	vst v0  }
0xe: {  	s2 =	rddreg [dreg:$0x4];
	v3 =	vor.u32 $0x41, v1;
	_ =	strace $0x80000047;
	[tilespmem:$0x1FEE0] =	vst v2  }
0xf: {  	v4 =	vor.u32 $0x82, v1;
	[tilespmem:$0x1FEF0] =	vst v3  }
0x10: {  	v5 =	vor.u32 $0xC3, v1;
	[tilespmem:$0x1FF00] =	vst v4  }
0x11: {  	v10 =	vor.u32 $0x104, v1;
	[tilespmem:$0x1FF10] =	vst v5  }
0x12: {  	v7 =	vor.u32 $0x145, v1;
	v8 =	vor.u32 $0x186, v1;
	[tilespmem:$0x1FF20] =	vst v10  }
0x13: {  	v11 =	vor.u32 $0x1C7, v1;
	v13 =	vor.u32 $0x208, v1;
	v15 =	vor.u32 $0x249, v1;
	[tilespmem:$0x1FF30] =	vst v7  }
0x14: {  	v17 =	vor.u32 $0x28A, v1;
	v19 =	vor.u32 $0x2CB, v1;
	v42 =	vor.u32 $0x30C, v1;
	[tilespmem:$0x1FF40] =	vst v8  }
0x15: {  	v43 =	vor.u32 $0x34D, v1;
	v25 =	vor.u32 $0x38E, v1;
	v18 =	vor.u32 $0xBAE, v1;
	[tilespmem:$0x1FF50] =	vst v11  }
0x16: {  	v27 =	vor.u32 $0x3CF, v1;
	v29 =	vor.u32 $0x410, v1;
	v16 =	vor.u32 $0xB6D, v1;
	[tilespmem:$0x1FF60] =	vst v18  }
0x17: {  	v26 =	vor.u32 $0x6DB, v1;
	v28 =	vor.u32 $0x71C, v1;
	v14 =	vor.u32 $0xB2C, v1;
	[tilespmem:$0x1FF70] =	vst v16  }
0x18: {  	s6 =	srdreg.scid;
	s3 =	stileid.u32;
	s12 =	simm.s32 $0x10450;
	v44 =	vor.u32 $0x75D, v1;
	v45 =	vor.u32 $0x79E, v1;
	v24 =	vor.u32 $0x9E7, v1;
	[tilespmem:$0x1FF80] =	vst v14  }
0x19: {  	s13 =	simm.s32 $0x10560;
	s6 =	sand.u32 $0x1, s6;
	s8 =	sshll.u32 s3, $0x1;
	v46 =	vor.u32 $0x7DF, v1;
	v47 =	vor.u32 $0x820, v1;
	v12 =	vor.u32 $0xCB2, v1;
	[tilespmem:$0x1FF90] =	vst v24  }
0x1a: {  	s14 =	simm.s32 $0x10460;
	s15 =	simm.s32 $0x0;
	s8 =	sor.u32 s6, s8;
	v48 =	vor.u32 $0x861, v1;
	v49 =	vor.u32 $0x8A2, v1;
	v50 =	vor.u32 $0x8E3, v1;
	[tilespmem:$0x1FFA0] =	vst v12  }
0x1b: {  	s6 =	ssub.s32 $0x2, s6;
	v51 =	vor.u32 $0x924, v1;
	v56 =	vor.u32 $0x965, v1;
	s9 =	sshll.u32 s8, $0xE;
	s10 =	sshll.u32 s8, $0x2;
	v33 =	vor.u32 $0xAEB, v1;
	[tilespmem:$0x1FFB0] =	vst v13  }
0x1c: {  	v22 =	vor.u32 $0x9A6, v1;
	s11 =	sshrl.u32 s6, $0x1;
	v32 =	vor.u32 $0xA28, v1;
	s8 =	sshll.u32 s8, $0x5;
	v39 =	vor.u32 $0xD75, v1;
	s9 =	sadd.s32 s9, s5;
	[tilespmem:$0x1FFC0] =	vst v33  }
0x1d: {  	v31 =	vor.u32 $0xA69, v1;
	v30 =	vor.u32 $0xAAA, v1;
	v40 =	vor.u32 $0xDB6, v1;
	s10 =	sadd.s32 s10, s5;
	s11 =	ssub.s32 s6, s11;
	s7 =	sadd.s32 s7, s8;
	[tilespmem:$0x1FFD0] =	vst v39  }
0x1e: {  	v34 =	vor.u32 $0xBEF, v1;
	v35 =	vor.u32 $0xC30, v1;
	v36 =	vor.u32 $0xC71, v1;
	s5 =	sadd.s32 $0x101000, s9;
	s6 =	sadd.s32 $0x1000, s10;
	s8 =	smax.u32 s11, $0x1;
	[tilespmem:$0x1FFE0] =	vst v40  }
0x1f: {  	v37 =	vor.u32 $0xCF3, v1;
	v38 =	vor.u32 $0xD34, v1;
	v41 =	vor.u32 $0xDF7, v1;
	s9 =	simm.s32 $0x10000;
	s10 =	simm.s32 $0x1;
	s11 =	simm.s32 $0x10440;
	[tilespmem:$0x1FFF0] =	vst v30  }
.LBB2_1:
0x20: {  	[tilespmem:s9], [sflag:$0x1] =	stream.linear.gather [hbm4b:s1+s4], $0x40, $0x38;
	[tilespmem:$0x10580] =	vst v63  }
0x21: {  	_ =	swait.ge [sflag:s10], $0x40  }
0x22: {  	[sflag:s10] =	ssyncset.done $0x0  }
0x23: {  	[sflag:s10] =	ssyncadd.s32 $0xFFFFFFC0  }
0x24: {  	[tilespmem:s11], [sflag:$0x1] =	stream.linear.gather [hbm4b:s0+s4], $0x10, $0x38;
	[tilespmem:$0x10580] =	vst v63  }
0x25: {  	_ =	swait.ge [sflag:s10], $0x10  }
0x26: {  	[sflag:s10] =	ssyncset.done $0x0  }
0x27: {  	[sflag:s10] =	ssyncadd.s32 $0xFFFFFFF0  }
0x28: {  	v59 =	vld [tilespmem:$0x10000];
	_ =	sdelay $0x4  }
0x29: {  	v60 =	vbroadcast v59, $0x0  }
0x2a: {  	v61 =	vbroadcast v59, $0x1  }
0x2b: {  	v52 =	vbroadcast v59, $0x2;
	[tilespmem:$0x10040] =	vst v60  }
0x2c: {  	v53 =	vbroadcast v59, $0x3;
	[tilespmem:$0x10050] =	vst v61  }
0x2d: {  	v54 =	vbroadcast v59, $0x4;
	[tilespmem:$0x10060] =	vst v52  }
0x2e: {  	v55 =	vbroadcast v59, $0x5;
	[tilespmem:$0x10070] =	vst v53  }
0x2f: {  	v57 =	vbroadcast v59, $0x6;
	[tilespmem:$0x10080] =	vst v54  }
0x30: {  	v58 =	vbroadcast v59, $0x7;
	[tilespmem:$0x10090] =	vst v55  }
0x31: {  	v8 =	vbroadcast v59, $0x8;
	[tilespmem:$0x100A0] =	vst v57  }
0x32: {  	v9 =	vbroadcast v59, $0x9;
	[tilespmem:$0x100B0] =	vst v58  }
0x33: {  	v10 =	vbroadcast v59, $0xA;
	[tilespmem:$0x100C0] =	vst v8  }
0x34: {  	v62 =	vld [tilespmem:$0x10010];
	v11 =	vbroadcast v59, $0xB;
	[tilespmem:$0x100D0] =	vst v9  }
0x35: {  	v33 =	vbroadcast v59, $0xC;
	[tilespmem:$0x100E0] =	vst v10  }
0x36: {  	v39 =	vbroadcast v59, $0xD;
	[tilespmem:$0x100F0] =	vst v11  }
0x37: {  	v40 =	vbroadcast v59, $0xE;
	[tilespmem:$0x10100] =	vst v33  }
0x38: {  	v59 =	vbroadcast v59, $0xF;
	[tilespmem:$0x10110] =	vst v39  }
0x39: {  	[tilespmem:$0x10120] =	vst v40;
	v52 =	vbroadcast v62, $0x0  }
0x3a: {  	[tilespmem:$0x10130] =	vst v59;
	v53 =	vbroadcast v62, $0x1  }
0x3b: {  	v54 =	vbroadcast v62, $0x2;
	[tilespmem:$0x10140] =	vst v52  }
0x3c: {  	v55 =	vbroadcast v62, $0x3;
	[tilespmem:$0x10150] =	vst v53  }
0x3d: {  	v8 =	vbroadcast v62, $0x4;
	[tilespmem:$0x10160] =	vst v54  }
0x3e: {  	v9 =	vbroadcast v62, $0x5;
	[tilespmem:$0x10170] =	vst v55  }
0x3f: {  	v10 =	vbroadcast v62, $0x6;
	[tilespmem:$0x10180] =	vst v8  }
0x40: {  	v11 =	vbroadcast v62, $0x7;
	[tilespmem:$0x10190] =	vst v9  }
0x41: {  	v33 =	vbroadcast v62, $0x8;
	[tilespmem:$0x101A0] =	vst v10  }
0x42: {  	v39 =	vbroadcast v62, $0x9;
	[tilespmem:$0x101B0] =	vst v11  }
0x43: {  	v40 =	vbroadcast v62, $0xA;
	[tilespmem:$0x101C0] =	vst v33  }
0x44: {  	v61 =	vld [tilespmem:$0x10020];
	[tilespmem:$0x101D0] =	vst v39;
	v52 =	vbroadcast v62, $0xB  }
0x45: {  	[tilespmem:$0x101E0] =	vst v40;
	v53 =	vbroadcast v62, $0xC  }
0x46: {  	v54 =	vbroadcast v62, $0xD;
	[tilespmem:$0x101F0] =	vst v52  }
0x47: {  	v55 =	vbroadcast v62, $0xE;
	[tilespmem:$0x10200] =	vst v53  }
0x48: {  	v8 =	vbroadcast v62, $0xF;
	[tilespmem:$0x10210] =	vst v54  }
0x49: {  	[tilespmem:$0x10220] =	vst v55;
	v9 =	vbroadcast v61, $0x0  }
0x4a: {  	[tilespmem:$0x10230] =	vst v8;
	v10 =	vbroadcast v61, $0x1  }
0x4b: {  	v11 =	vbroadcast v61, $0x2;
	[tilespmem:$0x10240] =	vst v9  }
0x4c: {  	v33 =	vbroadcast v61, $0x3;
	[tilespmem:$0x10250] =	vst v10  }
0x4d: {  	v39 =	vbroadcast v61, $0x4;
	[tilespmem:$0x10260] =	vst v11  }
0x4e: {  	v40 =	vbroadcast v61, $0x5;
	[tilespmem:$0x10270] =	vst v33  }
0x4f: {  	v52 =	vbroadcast v61, $0x6;
	[tilespmem:$0x10280] =	vst v39  }
0x50: {  	v53 =	vbroadcast v61, $0x7;
	[tilespmem:$0x10290] =	vst v40  }
0x51: {  	v54 =	vbroadcast v61, $0x8;
	[tilespmem:$0x102A0] =	vst v52  }
0x52: {  	v55 =	vbroadcast v61, $0x9;
	[tilespmem:$0x102B0] =	vst v53  }
0x53: {  	v8 =	vbroadcast v61, $0xA;
	[tilespmem:$0x102C0] =	vst v54  }
0x54: {  	v62 =	vld [tilespmem:$0x10030];
	[tilespmem:$0x102D0] =	vst v55;
	v9 =	vbroadcast v61, $0xB  }
0x55: {  	[tilespmem:$0x102E0] =	vst v8;
	v10 =	vbroadcast v61, $0xC  }
0x56: {  	v11 =	vbroadcast v61, $0xD;
	[tilespmem:$0x102F0] =	vst v9  }
0x57: {  	v33 =	vbroadcast v61, $0xE;
	[tilespmem:$0x10300] =	vst v10  }
0x58: {  	v39 =	vbroadcast v61, $0xF;
	[tilespmem:$0x10310] =	vst v11  }
0x59: {  	v40 =	vbroadcast v62, $0x0;
	v61 =	vld [tilespmem:$0x10440];
	[tilespmem:$0x10320] =	vst v33  }
0x5a: {  	v52 =	vbroadcast v62, $0x1;
	[tilespmem:$0x10330] =	vst v39  }
0x5b: {  	v53 =	vbroadcast v62, $0x2;
	[tilespmem:$0x10340] =	vst v40  }
0x5c: {  	v54 =	vbroadcast v62, $0x3;
	[tilespmem:$0x10350] =	vst v52  }
0x5d: {  	v55 =	vbroadcast v62, $0x4;
	[tilespmem:$0x10360] =	vst v53  }
0x5e: {  	v8 =	vbroadcast v62, $0x5;
	[tilespmem:$0x10370] =	vst v54;
	v63 =	vadd.f32 $9.999999680e-21, v61  }
0x5f: {  	[tilespmem:$0x10380] =	vst v55;
	v9 =	vbroadcast v62, $0x6  }
0x60: {  	[tilespmem:$0x10390] =	vst v8;
	v10 =	vbroadcast v62, $0x7;
	(erf) = vrcp.f32 v63  }
0x61: {  	v11 =	vbroadcast v62, $0x8;
	[tilespmem:$0x103A0] =	vst v9  }
0x62: {  	v33 =	vbroadcast v62, $0x9;
	[tilespmem:$0x103B0] =	vst v10  }
0x63: {  	v39 =	vbroadcast v62, $0xA;
	[tilespmem:$0x103C0] =	vst v11  }
0x64: {  	v40 =	vbroadcast v62, $0xB;
	[tilespmem:$0x103D0] =	vst v33  }
0x65: {  	v52 =	vbroadcast v62, $0xC;
	[tilespmem:$0x103E0] =	vst v39  }
0x66: {  	v53 =	vbroadcast v62, $0xD;
	[tilespmem:$0x103F0] =	vst v40  }
0x67: {  	v54 =	vbroadcast v62, $0xE;
	[tilespmem:$0x10400] =	vst v52  }
0x68: {  	v55 =	vbroadcast v62, $0xF;
	[tilespmem:$0x10410] =	vst v53  }
0x69: {  	[tilespmem:$0x10420] =	vst v54;
	v58 =	vpop (erf)  }
0x6a: {  	p0 =	por $0x1, $0x1;
	s16 =	simm.s32 $0x0;
	[tilespmem:$0x10430] =	vst v55;
	v59 =	vmul.f32 v58, v61  }
.LBB2_2:
0x6b: {  	s17 =	sshll.u32 s16, $0xD  }
0x6c: {  	s29 =	simm.s32 $0x1;
	s17 =	sadd.s32 s17, s5  }
0x6d: {  	[tilespmem:s4], [sflag:$0x1] =	stream.linear.gather [hbm4b:s17+s4], $0x10000, $0x38;
	[tilespmem:$0x10580] =	vst v63  }
0x6e: {  	_ =	swait.ge [sflag:s29], $0x10000  }
0x6f: {  	v5 =	vld [tilespmem:$0x1FF20]  }
0x70: {  	v7 =	vld [tilespmem:$0x1FF30]  }
0x71: {  	v9 =	vld [tilespmem:$0x1FF40]  }
0x72: {  	[sflag:s29] =	ssyncset.done $0x0;
	v11 =	vld [tilespmem:$0x1FF50]  }
0x73: {  	v13 =	vld [tilespmem:$0x1FFB0];
	[sflag:s29] =	ssyncadd.s32 $0xFFFF0000  }
0x74: {  	v61 =	vld.idx.msk [tilespmem:v1+s4+$0x0], $0xffff  }
0x75: {  	v60 =	vld.idx.msk [tilespmem:v2+s4+$0x0], $0xffff  }
0x76: {  	v62 =	vld [tilespmem:$0x10040]  }
0x77: {  	v63 =	vld.idx.msk [tilespmem:v3+s4+$0x0], $0xffff  }
0x78: {  	v0 =	vld [tilespmem:$0x10050]  }
0x79: {  	v58 =	vld.idx.msk [tilespmem:v4+s4+$0x0], $0xffff  }
0x7a: {  	v2 =	vld [tilespmem:$0x10060]  }
0x7b: {  	v3 =	vld [tilespmem:$0x1FF10]  }
0x7c: {  	v4 =	vld [tilespmem:$0x10070]  }
0x7d: {  	v6 =	vld [tilespmem:$0x10080]  }
0x7e: {  	v8 =	vld [tilespmem:$0x10090]  }
0x7f: {  	v10 =	vld [tilespmem:$0x100A0]  }
0x80: {  	v12 =	vld [tilespmem:$0x100B0]  }
0x81: {  	v14 =	vld [tilespmem:$0x100C0]  }
0x82: {  	v39 =	vmov v15;
	v15 =	vld.idx.msk [tilespmem:v15+s4+$0x0], $0xffff  }
0x83: {  	v16 =	vld [tilespmem:$0x100D0]  }
0x84: {  	v40 =	vmov v17;
	v17 =	vld.idx.msk [tilespmem:v17+s4+$0x0], $0xffff  }
0x85: {  	v18 =	vld [tilespmem:$0x100E0]  }
0x86: {  	v30 =	vmov v41;
	v41 =	vmov v19;
	v19 =	vld.idx.msk [tilespmem:v19+s4+$0x0], $0xffff  }
0x87: {  	v20 =	vld [tilespmem:$0x100F0]  }
0x88: {  	v21 =	vld.idx.msk [tilespmem:v42+s4+$0x0], $0xffff  }
0x89: {  	v33 =	vmov v31;
	v31 =	vmov v22;
	v22 =	vld [tilespmem:$0x10100]  }
0x8a: {  	v23 =	vld.idx.msk [tilespmem:v43+s4+$0x0], $0xffff  }
0x8b: {  	v24 =	vld [tilespmem:$0x10110]  }
0x8c: {  	v52 =	vld.idx.msk [tilespmem:v25+s4+$0x0], $0xffff  }
0x8d: {  	v57 =	vld [tilespmem:$0x10120]  }
0x8e: {  	v53 =	vld.idx.msk [tilespmem:v27+s4+$0x0], $0xffff  }
0x8f: {  	v55 =	vld [tilespmem:$0x10130]  }
0x90: {  	v54 =	vld.idx.msk [tilespmem:v29+s4+$0x0], $0xffff  }
0x91: {  	v60 =	vsub.f32 v61, v60;
	vm0 =	vgt.f32 v61, $8.000000110e-01;
	v61 =	vld [tilespmem:$0x10140]  }
0x92: {  	vm1 =	vlt.s32 v62, $0x1;
	v62 =	vld [tilespmem:$0x1FE40]  }
0x93: {  	vm9 =	vlt.s32 v0, $0x1;
	v0 =	vld [tilespmem:$0x10150]  }
0x94: {  	vm3 =	vlt.s32 v2, $0x1;
	v2 =	vld [tilespmem:$0x1FE50]  }
0x95: {  	vm10 =	vgt.f32 v58, $8.000000110e-01;
	v58 =	vld [tilespmem:$0x10160]  }
0x96: {  	vm13 =	vlt.s32 v4, $0x1;
	v4 =	vld [tilespmem:$0x10170]  }
0x97: {  	vm15 =	vlt.s32 v6, $0x1;
	v6 =	vld [tilespmem:$0x10180]  }
0x98: {  	vm8 =	vgt.f32 v63, $8.000000110e-01;
	v63 =	vld [tilespmem:$0x1FE90]  }
0x99: {  	v5 =	vld.idx.msk [tilespmem:v5+s4+$0x0], $0xffff  }
0x9a: {  	v7 =	vld.idx.msk [tilespmem:v7+s4+$0x0], $0xffff  }
0x9b: {  	v9 =	vld.idx.msk [tilespmem:v9+s4+$0x0], $0xffff  }
0x9c: {  	v11 =	vld.idx.msk [tilespmem:v11+s4+$0x0], $0xffff  }
0x9d: {  	v13 =	vld.idx.msk [tilespmem:v13+s4+$0x0], $0xffff  }
0x9e: {  	vm0 =	vmxor vm0, vm1;
	vm1 =	vmxor vm8, vm9;
	vm8 =	vlt.s32 v8, $0x1;
	v8 =	vld [tilespmem:$0x10190]  }
0x9f: {  	vm11 =	vmxor vm10, vm3;
	vm10 =	vlt.s32 v10, $0x1;
	v10 =	vld [tilespmem:$0x101A0]  }
0xa0: {  	v3 =	vld.idx.msk [tilespmem:v3+s4+$0x0], $0xffff  }
0xa1: {  	v60 =	vand.u32 $0x7FFFFFFF, v60;
	vm14 =	vgt.f32 v5, $8.000000110e-01;
	v5 =	vld [tilespmem:$0x1FE70]  }
0xa2: {  	vm2 =	vlt.f32 v60, $1.000000010e-01;
	vm7 =	vgt.f32 v7, $8.000000110e-01;
	v7 =	vld [tilespmem:$0x1FE80]  }
0xa3: {  	vm0 =	vmand vm2, vm0;
	vm6 =	vmxor vm14, vm15;
	vm14 =	vgt.f32 v13, $8.000000110e-01;
	v13 =	vld [tilespmem:$0x1FEB0]  }
0xa4: {  	vm0 =	vmand vm0, vm1;
	vm9 =	vgt.f32 v9, $8.000000110e-01;
	vm15 =	vlt.s32 v14, $0x1;
	v14 =	vld [tilespmem:$0x101C0]  }
0xa5: {  	vm0 =	vmand vm0, vm11;
	vm11 =	vmxor vm9, vm10;
	vm9 =	vgt.f32 v17, $8.000000110e-01;
	v17 =	vld [tilespmem:$0x1FED0]  }
0xa6: {  	vm10 =	vlt.s32 v18, $0x1;
	v18 =	vld [tilespmem:$0x101E0]  }
0xa7: {  	v62 =	vld.idx.msk [tilespmem:v62+s4+$0x0], $0xffff  }
0xa8: {  	v2 =	vld.idx.msk [tilespmem:v2+s4+$0x0], $0xffff  }
0xa9: {  	vm12 =	vgt.f32 v3, $8.000000110e-01;
	v3 =	vld [tilespmem:$0x1FE60]  }
0xaa: {  	v9 =	vld.idx.msk [tilespmem:v63+s4+$0x0], $0xffff  }
0xab: {  	v63 =	vld [tilespmem:$0x1FEA0]  }
0xac: {  	vm1 =	vmxor vm12, vm13;
	vm13 =	vlt.s32 v12, $0x1;
	v12 =	vld [tilespmem:$0x101B0]  }
0xad: {  	vm0 =	vmand vm0, vm1;
	vm1 =	vmxor vm7, vm8;
	vm7 =	vgt.f32 v15, $8.000000110e-01;
	v15 =	vld [tilespmem:$0x1FEC0]  }
0xae: {  	vm8 =	vlt.s32 v16, $0x1;
	v16 =	vld [tilespmem:$0x101D0]  }
0xaf: {  	vm0 =	vmand vm0, vm6;
	vm6 =	vmxor vm14, vm15;
	vm14 =	vgt.f32 v21, $8.000000110e-01;
	v21 =	vld.idx.msk [tilespmem:v28+s4+$0x0], $0xffff  }
0xb0: {  	vm12 =	vgt.f32 v11, $8.000000110e-01;
	vm15 =	vlt.s32 v22, $0x1;
	v22 =	vld [tilespmem:$0x10200]  }
0xb1: {  	vm0 =	vmand vm0, vm1;
	vm1 =	vmxor vm12, vm13;
	vm12 =	vgt.f32 v19, $8.000000110e-01;
	v19 =	vld.idx.msk [tilespmem:v26+s4+$0x0], $0xffff  }
0xb2: {  	vm13 =	vlt.s32 v20, $0x1;
	v20 =	vld [tilespmem:$0x101F0]  }
0xb3: {  	vm0 =	vmand vm0, vm11;
	vm11 =	vmxor vm9, vm10;
	vm9 =	vgt.f32 v52, $8.000000110e-01;
	v52 =	vld [tilespmem:$0x10260]  }
0xb4: {  	v5 =	vld.idx.msk [tilespmem:v5+s4+$0x0], $0xffff  }
0xb5: {  	v7 =	vld.idx.msk [tilespmem:v7+s4+$0x0], $0xffff  }
0xb6: {  	vm0 =	vmand vm0, vm1;
	vm1 =	vmxor vm7, vm8;
	vm7 =	vgt.f32 v23, $8.000000110e-01;
	v23 =	vld.idx.msk [tilespmem:v44+s4+$0x0], $0xffff  }
0xb7: {  	vm8 =	vlt.s32 v24, $0x1;
	v24 =	vld [tilespmem:$0x10220]  }
0xb8: {  	v13 =	vld.idx.msk [tilespmem:v13+s4+$0x0], $0xffff  }
0xb9: {  	v17 =	vld.idx.msk [tilespmem:v17+s4+$0x0], $0xffff  }
0xba: {  	vm0 =	vmand vm0, vm6;
	vm6 =	vmxor vm14, vm15;
	vm14 =	vgt.f32 v54, $8.000000110e-01;
	v54 =	vld [tilespmem:$0x1FFC0]  }
0xbb: {  	v3 =	vld.idx.msk [tilespmem:v3+s4+$0x0], $0xffff  }
0xbc: {  	v11 =	vld.idx.msk [tilespmem:v63+s4+$0x0], $0xffff  }
0xbd: {  	v63 =	vld.idx.msk [tilespmem:v49+s4+$0x0], $0xffff  }
0xbe: {  	vm0 =	vmand vm0, vm1;
	vm1 =	vmxor vm12, vm13;
	vm12 =	vgt.f32 v53, $8.000000110e-01;
	v53 =	vld.idx.msk [tilespmem:v50+s4+$0x0], $0xffff  }
0xbf: {  	vm10 =	vlt.s32 v57, $0x1;
	vm13 =	vlt.s32 v55, $0x1;
	v55 =	vld [tilespmem:$0x102E0]  }
0xc0: {  	vm0 =	vmand vm0, vm11;
	vm11 =	vmxor vm9, vm10;
	vm9 =	vgt.f32 v2, $8.000000110e-01;
	v2 =	vld.idx.msk [tilespmem:v45+s4+$0x0], $0xffff  }
0xc1: {  	vm10 =	vlt.s32 v58, $0x1;
	v58 =	vld [tilespmem:$0x102F0]  }
0xc2: {  	v15 =	vld.idx.msk [tilespmem:v15+s4+$0x0], $0xffff  }
0xc3: {  	vm0 =	vmand vm0, vm1;
	vm1 =	vmxor vm7, vm8;
	vm8 =	vlt.s32 v0, $0x1;
	v0 =	vld [tilespmem:$0x10210]  }
0xc4: {  	vm15 =	vlt.s32 v61, $0x1;
	vm7 =	vgt.f32 v62, $8.000000110e-01;
	v62 =	vld [tilespmem:$0x10250]  }
0xc5: {  	vm0 =	vmand vm0, vm6;
	vm6 =	vmxor vm14, vm15;
	vm14 =	vgt.f32 v5, $8.000000110e-01;
	v5 =	vld.idx.msk [tilespmem:v47+s4+$0x0], $0xffff  }
0xc6: {  	vm15 =	vlt.s32 v6, $0x1;
	v6 =	vld [tilespmem:$0x10240]  }
0xc7: {  	vm0 =	vmand vm0, vm1;
	vm1 =	vmxor vm12, vm13;
	vm13 =	vlt.s32 v4, $0x1;
	v4 =	vld [tilespmem:$0x10230]  }
0xc8: {  	vm0 =	vmand vm0, vm11;
	vm12 =	vgt.f32 v3, $8.000000110e-01;
	v3 =	vld.idx.msk [tilespmem:v46+s4+$0x0], $0xffff  }
0xc9: {  	vm0 =	vmand vm0, vm1;
	vm1 =	vmxor vm7, vm8;
	vm7 =	vgt.f32 v7, $8.000000110e-01;
	v7 =	vld.idx.msk [tilespmem:v48+s4+$0x0], $0xffff  }
0xca: {  	vm0 =	vmand vm0, vm6;
	vm6 =	vmxor vm14, vm15;
	vm14 =	vgt.f32 v13, $8.000000110e-01;
	v13 =	vld.idx.msk [tilespmem:v51+s4+$0x0], $0xffff  }
0xcb: {  	vm11 =	vmxor vm9, vm10;
	vm9 =	vgt.f32 v9, $8.000000110e-01;
	vm15 =	vlt.s32 v14, $0x1;
	v14 =	vld [tilespmem:$0x10280]  }
0xcc: {  	vm10 =	vlt.s32 v10, $0x1;
	vm8 =	vlt.s32 v8, $0x1;
	v57 =	vld.idx.msk [tilespmem:v54+s4+$0x0], $0xffff;
	v54 =	vor.u32 $0xE38, v1  }
0xcd: {  	vm0 =	vmand vm0, vm1;
	vm1 =	vmxor vm12, vm13;
	vm13 =	vlt.s32 v12, $0x1;
	v12 =	vld [tilespmem:$0x10270]  }
0xce: {  	vm0 =	vmand vm0, vm11;
	vm11 =	vmxor vm9, vm10;
	vm10 =	vlt.s32 v18, $0x1;
	v18 =	vld [tilespmem:$0x102B0]  }
0xcf: {  	vm0 =	vmand vm0, vm1;
	vm1 =	vmxor vm7, vm8;
	vm7 =	vgt.f32 v15, $8.000000110e-01;
	v15 =	vld.idx.msk [tilespmem:v56+s4+$0x0], $0xffff  }
0xd0: {  	vm12 =	vgt.f32 v11, $8.000000110e-01;
	vm8 =	vlt.s32 v16, $0x1;
	v16 =	vld [tilespmem:$0x10290]  }
0xd1: {  	vm0 =	vmand vm0, vm6;
	vm6 =	vmxor vm14, vm15;
	vm15 =	vlt.s32 v22, $0x1;
	v22 =	vmovc v31;
	v31 =	vmovc v33;
	v33 =	vld.idx.msk [tilespmem:v36+s4+$0x0], $0xffff  }
0xd2: {  	vm0 =	vmand vm0, vm1;
	vm1 =	vmxor vm12, vm13;
	vm12 =	vgt.f32 v19, $8.000000110e-01;
	v19 =	vmovc v41;
	v41 =	vmovc v30;
	v30 =	vld [tilespmem:$0x1FFF0]  }
0xd3: {  	vm9 =	vgt.f32 v17, $8.000000110e-01;
	vm14 =	vgt.f32 v21, $8.000000110e-01;
	v8 =	vld.idx.msk [tilespmem:v54+s4+$0x0], $0xffff  }
0xd4: {  	vm0 =	vmand vm0, vm11;
	vm11 =	vmxor vm9, vm10;
	vm10 =	vlt.s32 v24, $0x1;
	v24 =	vld [tilespmem:$0x1FF90]  }
0xd5: {  	vm0 =	vmand vm0, vm1;
	vm1 =	vmxor vm7, vm8;
	vm8 =	vlt.s32 v0, $0x1;
	v0 =	vld [tilespmem:$0x102A0]  }
0xd6: {  	vm0 =	vmand vm0, vm6;
	vm6 =	vmxor vm14, vm15;
	vm15 =	vlt.s32 v6, $0x1;
	v6 =	vld [tilespmem:$0x102D0]  }
0xd7: {  	vm13 =	vlt.s32 v20, $0x1;
	v17 =	vld.idx.msk [tilespmem:v22+s4+$0x0], $0xffff  }
0xd8: {  	vm0 =	vmand vm0, vm1;
	vm1 =	vmxor vm12, vm13;
	vm12 =	vgt.f32 v3, $8.000000110e-01;
	v3 =	vld.idx.msk [tilespmem:v32+s4+$0x0], $0xffff  }
0xd9: {  	vm13 =	vlt.s32 v4, $0x1;
	v4 =	vld [tilespmem:$0x102C0]  }
0xda: {  	vm9 =	vgt.f32 v2, $8.000000110e-01;
	vm14 =	vgt.f32 v5, $8.000000110e-01;
	v5 =	vld.idx.msk [tilespmem:v31+s4+$0x0], $0xffff  }
0xdb: {  	vm0 =	vmand vm0, vm11;
	vm11 =	vmxor vm9, vm10;
	vm9 =	vgt.f32 v63, $8.000000110e-01;
	v63 =	vld [tilespmem:$0x1FFE0]  }
0xdc: {  	vm7 =	vgt.f32 v23, $8.000000110e-01;
	vm10 =	vlt.s32 v52, $0x1;
	v52 =	vld [tilespmem:$0x10350]  }
0xdd: {  	vm0 =	vmand vm0, vm1;
	vm1 =	vmxor vm7, vm8;
	vm8 =	vlt.s32 v62, $0x1;
	v62 =	vld [tilespmem:$0x1FFD0]  }
0xde: {  	vm0 =	vmand vm0, vm6;
	vm6 =	vmxor vm14, vm15;
	vm15 =	vlt.s32 v14, $0x1;
	v14 =	vld [tilespmem:$0x1FF80]  }
0xdf: {  	vm14 =	vgt.f32 v13, $8.000000110e-01;
	v13 =	vld [tilespmem:$0x10310]  }
0xe0: {  	vm7 =	vgt.f32 v7, $8.000000110e-01;
	v7 =	vld.idx.msk [tilespmem:v30+s4+$0x0], $0xffff  }
0xe1: {  	vm0 =	vmand vm0, vm1;
	vm1 =	vmxor vm12, vm13;
	vm13 =	vlt.s32 v12, $0x1;
	v12 =	vld [tilespmem:$0x10300]  }
0xe2: {  	vm12 =	vgt.f32 v53, $8.000000110e-01;
	v2 =	vld.idx.msk [tilespmem:v24+s4+$0x0], $0xffff;
	vm0 =	vmand vm0, vm11;
	vm11 =	vmxor vm9, vm10  }
0xe3: {  	vm0 =	vmand vm0, vm1;
	vm1 =	vmxor vm7, vm8;
	vm8 =	vlt.s32 v16, $0x1;
	v16 =	vld [tilespmem:$0x1FF70]  }
0xe4: {  	vm0 =	vmand vm0, vm6;
	vm6 =	vmxor vm14, vm15;
	vm14 =	vgt.f32 v3, $8.000000110e-01;
	v3 =	vld [tilespmem:$0x10320]  }
0xe5: {  	vm9 =	vgt.f32 v17, $8.000000110e-01;
	vm10 =	vlt.s32 v0, $0x1;
	vm15 =	vlt.s32 v4, $0x1;
	v4 =	vld.idx.msk [tilespmem:v34+s4+$0x0], $0xffff  }
0xe6: {  	vm0 =	vmand vm0, vm1;
	vm1 =	vmxor vm12, vm13;
	vm13 =	vlt.s32 v18, $0x1;
	v18 =	vld [tilespmem:$0x1FF60]  }
0xe7: {  	vm0 =	vmand vm0, vm11;
	vm11 =	vmxor vm9, vm10;
	vm9 =	vgt.f32 v7, $8.000000110e-01;
	v7 =	vld [tilespmem:$0x10340]  }
0xe8: {  	vm7 =	vgt.f32 v15, $8.000000110e-01;
	vm10 =	vlt.s32 v55, $0x1;
	v55 =	vld.idx.msk [tilespmem:v63+s4+$0x0], $0xffff  }
0xe9: {  	vm0 =	vmand vm0, vm1;
	vm1 =	vmxor vm7, vm8;
	vm7 =	vgt.f32 v5, $8.000000110e-01;
	v5 =	vld [tilespmem:$0x10330]  }
0xea: {  	vm8 =	vlt.s32 v6, $0x1;
	v6 =	vld.idx.msk [tilespmem:v35+s4+$0x0], $0xffff  }
0xeb: {  	vm12 =	vgt.f32 v2, $8.000000110e-01;
	v61 =	vld.idx.msk [tilespmem:v14+s4+$0x0], $0xffff  }
0xec: {  	vm0 =	vmand vm0, vm6;
	vm6 =	vmxor vm14, vm15;
	vm15 =	vlt.s32 v12, $0x1;
	v12 =	vld [tilespmem:$0x1FFA0]  }
0xed: {  	vm0 =	vmand vm0, vm1;
	vm1 =	vmxor vm12, vm13;
	vm13 =	vlt.s32 v58, $0x1;
	v58 =	vld.idx.msk [tilespmem:v41+s4+$0x0], $0xffff  }
0xee: {  	vm0 =	vmand vm0, vm11;
	vm11 =	vmxor vm9, vm10;
	vm9 =	vlt.s32 v3, $0x1;
	v3 =	vld [tilespmem:$0x10370]  }
0xef: {  	vm12 =	vgt.f32 v57, $8.000000110e-01;
	v57 =	vor.u32 $0xE79, v1;
	v0 =	vld.idx.msk [tilespmem:v16+s4+$0x0], $0xffff;
	vm0 =	vmand vm0, vm1  }
0xf0: {  	vm1 =	vmxor vm7, vm8;
	vm7 =	vlt.s32 v13, $0x1;
	vm0 =	vmand vm0, vm6;
	v2 =	vld.idx.msk [tilespmem:v18+s4+$0x0], $0xffff  }
0xf1: {  	vm0 =	vmand vm0, vm1;
	vm1 =	vmxor vm12, vm13;
	vm12 =	vlt.s32 v5, $0x1;
	v5 =	vld [tilespmem:$0x10380]  }
0xf2: {  	vm14 =	vgt.f32 v61, $8.000000110e-01;
	vm13 =	vgt.f32 v6, $8.000000110e-01;
	v6 =	vld.idx.msk [tilespmem:v62+s4+$0x0], $0xffff;
	vm0 =	vmand vm0, vm11  }
0xf3: {  	vm5 =	vmxor vm14, vm15;
	vm11 =	vgt.f32 v4, $8.000000110e-01;
	v4 =	vld.idx.msk [tilespmem:v38+s4+$0x0], $0xffff;
	vm14 =	vlt.s32 v7, $0x1  }
0xf4: {  	v61 =	vor.u32 $0xF7D, v1;
	vm0 =	vmand vm0, vm1;
	vm15 =	vmxor vm13, vm14;
	v53 =	vld.idx.msk [tilespmem:v12+s4+$0x0], $0xffff  }
0xf5: {  	vm13 =	vlt.s32 v3, $0x1;
	v3 =	vor.u32 $0xEBA, v1;
	vm6 =	vgt.f32 v0, $8.000000110e-01;
	v0 =	vld [tilespmem:$0x10360]  }
0xf6: {  	v7 =	vld [tilespmem:$0x10390];
	vm0 =	vmand vm0, vm5;
	vm1 =	vmxor vm6, vm7;
	vm6 =	vgt.f32 v33, $8.000000110e-01  }
0xf7: {  	v10 =	vld.idx.msk [tilespmem:v57+s4+$0x0], $0xffff;
	vm7 =	vlt.s32 v52, $0x1;
	vm8 =	vgt.f32 v2, $8.000000110e-01;
	vm0 =	vmand vm0, vm1  }
0xf8: {  	v2 =	vld.idx.msk [tilespmem:v37+s4+$0x0], $0xffff;
	vm1 =	vmxor vm11, vm12;
	vm10 =	vmxor vm8, vm9;
	vm8 =	vmxor vm6, vm7  }
0xf9: {  	v9 =	vld.idx.msk [tilespmem:v61+s4+$0x0], $0xffff;
	vm6 =	vlt.s32 v5, $0x1;
	v5 =	vor.u32 $0xEFB, v1;
	vm0 =	vmand vm0, vm10  }
0xfa: {  	v3 =	vld.idx.msk [tilespmem:v3+s4+$0x0], $0xffff;
	vm0 =	vmand vm0, vm1;
	vm9 =	vgt.f32 v53, $8.000000110e-01;
	vm10 =	vlt.s32 v0, $0x1  }
0xfb: {  	v0 =	vld [tilespmem:$0x103A0];
	vm0 =	vmand vm0, vm15;
	vm11 =	vmxor vm9, vm10  }
0xfc: {  	vm15 =	vgt.f32 v4, $8.000000110e-01;
	v4 =	vld [tilespmem:$0x103C0];
	vm9 =	vlt.s32 v7, $0x1;
	v7 =	vor.u32 $0xF3C, v1  }
0xfd: {  	v63 =	vor.u32 $0xFFF, v1;
	v62 =	vor.u32 $0xFBE, v1;
	vm12 =	vgt.f32 v2, $8.000000110e-01;
	v2 =	vld [tilespmem:$0x103B0]  }
0xfe: {  	vm0 =	vmand vm0, vm8;
	vm7 =	vmxor vm15, vm6;
	vm8 =	vgt.f32 v6, $8.000000110e-01;
	v6 =	vld [tilespmem:$0x103D0]  }
0xff: {  	vm0 =	vmand vm0, vm11;
	vm14 =	vmxor vm12, vm13;
	vm10 =	vmxor vm8, vm9;
	v5 =	vld.idx.msk [tilespmem:v5+s4+$0x0], $0xffff  }
0x100: {  	vm11 =	vgt.f32 v55, $8.000000110e-01;
	vm0 =	vmand vm0, vm14;
	vm12 =	vlt.s32 v0, $0x1;
	v0 =	vld [tilespmem:$0x103E0]  }
0x101: {  	vm14 =	vgt.f32 v58, $8.000000110e-01;
	vm0 =	vmand vm0, vm7;
	vm7 =	vgt.f32 v8, $8.000000110e-01;
	v7 =	vld.idx.msk [tilespmem:v7+s4+$0x0], $0xffff  }
0x102: {  	vm0 =	vmand vm0, vm10;
	vm13 =	vmxor vm11, vm12;
	vm8 =	vlt.s32 v4, $0x1;
	v4 =	vld [tilespmem:$0x10400]  }
0x103: {  	vm10 =	vgt.f32 v10, $8.000000110e-01;
	vm12 =	vgt.f32 v3, $8.000000110e-01;
	vm15 =	vlt.s32 v2, $0x1;
	v2 =	vld [tilespmem:$0x103F0]  }
0x104: {  	v3 =	vld [tilespmem:$0x10420];
	vm0 =	vmand vm0, vm13;
	vm11 =	vlt.s32 v6, $0x1;
	vm6 =	vmxor vm14, vm15  }
0x105: {  	vm9 =	vmxor vm7, vm8;
	v6 =	vld [tilespmem:$0x10410];
	vm1 =	vmxor vm10, vm11;
	vm0 =	vmand vm0, vm6  }
0x106: {  	vm15 =	vgt.f32 v5, $8.000000110e-01;
	vm0 =	vmand vm0, vm9;
	vm13 =	vlt.s32 v0, $0x1;
	v0 =	vld.idx.msk [tilespmem:v62+s4+$0x0], $0xffff  }
0x107: {  	vm9 =	vgt.f32 v9, $8.000000110e-01;
	vm0 =	vmand vm0, vm1;
	vm8 =	vlt.s32 v4, $0x1;
	v4 =	vld [tilespmem:$0x10430]  }
0x108: {  	vm14 =	vmxor vm12, vm13;
	vm7 =	vgt.f32 v7, $8.000000110e-01;
	vm6 =	vlt.s32 v2, $0x1;
	v2 =	vld.idx.msk [tilespmem:v63+s4+$0x0], $0xffff  }
0x109: {  	vm12 =	vlt.s32 v3, $0x1;
	vm0 =	vmand vm0, vm14;
	vm2 =	vmxor vm15, vm6  }
0x10a: {  	vm1 =	vmxor vm7, vm8;
	vm10 =	vlt.s32 v6, $0x1;
	vm0 =	vmand vm0, vm2  }
0x10b: {  	vm2 =	vmxor vm9, vm10;
	vm0 =	vmand vm0, vm1;
	vm11 =	vgt.f32 v0, $8.000000110e-01  }
0x10c: {  	v0 =	vlaneseq.u32;
	vm0 =	vmand vm0, vm2;
	vm1 =	vmxor vm11, vm12  }
0x10d: {  	vm14 =	vlt.s32 v4, $0x1;
	v0 =	vshrl.u32 v0, $0x3;
	vm13 =	vgt.f32 v2, $8.000000110e-01  }
0x10e: {  	s30 =	sshll.u32 s16, $0x4;
	vm0 =	vmand vm0, vm1;
	vm15 =	vmxor vm13, vm14  }
0x10f: {  	s17 =	sand.u32 $0x3FFFFFF0, s30;
	v5 =	vimm.f32 $0.0e+00;
	vm0 =	vmand vm0, vm15  }
0x110: {  	[tilespmem:s17+$0x10560] =	vst v60;
	v2 =	vsel vm0, $0x3F800000, v5  }
0x111: {  	[tilespmem:$0x10450] =	vst v2  }
0x112: {  	v2 =	vld.idx.msk [tilespmem:v0+s12+$0x0], $0xffff;
	_ =	sdelay $0x2  }
0x113: {  	v3 =	vor.u32 $0x2, v0;
	_ =	sdelay $0x1  }
0x114: {  	s31 =	sshll.u32 s16, $0x7;
	v2 =	vmul.f32 v2, v59  }
0x115: {  	s16 =	sand.u32 $0x3FFFFF80, s31  }
0x116: {  	[tilespmem:s16+$0x10460] =	vst v2  }
0x117: {  	v2 =	vld.idx.msk [tilespmem:v3+s12+$0x0], $0xffff;
	_ =	sdelay $0x2  }
0x118: {  	v3 =	vor.u32 $0x4, v0;
	_ =	sdelay $0x1  }
0x119: {  	v2 =	vmul.f32 v2, v59;
	_ =	sdelay $0x1  }
0x11a: {  	[tilespmem:s16+$0x10470] =	vst v2  }
0x11b: {  	v2 =	vld.idx.msk [tilespmem:v3+s12+$0x0], $0xffff;
	_ =	sdelay $0x2  }
0x11c: {  	v3 =	vor.u32 $0x6, v0;
	_ =	sdelay $0x1  }
0x11d: {  	v2 =	vmul.f32 v2, v59;
	_ =	sdelay $0x1  }
0x11e: {  	[tilespmem:s16+$0x10480] =	vst v2  }
0x11f: {  	v2 =	vld.idx.msk [tilespmem:v3+s12+$0x0], $0xffff;
	_ =	sdelay $0x2  }
0x120: {  	v3 =	vor.u32 $0x8, v0;
	_ =	sdelay $0x1  }
0x121: {  	v2 =	vmul.f32 v2, v59;
	_ =	sdelay $0x1  }
0x122: {  	[tilespmem:s16+$0x10490] =	vst v2  }
0x123: {  	v2 =	vld.idx.msk [tilespmem:v3+s12+$0x0], $0xffff;
	_ =	sdelay $0x2  }
0x124: {  	v3 =	vor.u32 $0xA, v0;
	_ =	sdelay $0x1  }
0x125: {  	v2 =	vmul.f32 v2, v59;
	_ =	sdelay $0x1  }
0x126: {  	[tilespmem:s16+$0x104A0] =	vst v2  }
0x127: {  	v2 =	vld.idx.msk [tilespmem:v3+s12+$0x0], $0xffff;
	_ =	sdelay $0x2  }
0x128: {  	v3 =	vor.u32 $0xC, v0;
	_ =	sdelay $0x1  }
0x129: {  	v2 =	vmul.f32 v2, v59;
	_ =	sdelay $0x1  }
0x12a: {  	[tilespmem:s16+$0x104B0] =	vst v2  }
0x12b: {  	v2 =	vld.idx.msk [tilespmem:v3+s12+$0x0], $0xffff;
	_ =	sdelay $0x2  }
0x12c: {  	v0 =	vor.u32 $0xE, v0;
	_ =	sdelay $0x1  }
0x12d: {  	v2 =	vmul.f32 v2, v59;
	_ =	sdelay $0x1  }
0x12e: {  	[tilespmem:s16+$0x104C0] =	vst v2  }
0x12f: {  	v0 =	vld.idx.msk [tilespmem:v0+s12+$0x0], $0xffff;
	_ =	sdelay $0x1  }
0x130: {  	p1 =	por p0, p0  }
.Ltmp0:
0x131: {  	_ = 	snop;
	(pc) =	sbr.rel @p1 .LBB2_2-.Ltmp0, $4  }
0x132: {  	_ = 	snop  }
0x133: {  	v4 =	vld [tilespmem:$0x1FF00];
	v0 =	vmul.f32 v0, v59  }
0x134: {  	v3 =	vld [tilespmem:$0x1FEF0]  }
0x135: {  	p0 =	por $0x0, $0x0;
	v17 =	vmov v40;
	v15 =	vmov v39;
	v2 =	vld [tilespmem:$0x1FEE0];
	[tilespmem:s16+$0x104D0] =	vst v0;
	s16 =	simm.s32 $0x1  }
0x136: {  	[hbm4b:s6+s4] =	stream.linear.scatter [tilespmem:s13], [sflag:$0x1], $0x20, $0x38;
	[tilespmem:$0x10580] =	vst v63  }
0x137: {  	s15 =	sadd.s32 $0x1, s15;
	_ =	swait.ge [sflag:s10], $0x20  }
0x138: {  	p0 =	sne.s32 s15, s8;
	[sflag:s10] =	ssyncset.done $0x0  }
.Ltmp1:
0x139: {  	[sflag:s10] =	ssyncadd.s32 $0xFFFFFFE0;
	(pc) =	sbr.rel @p0 .LBB2_1-.Ltmp1, $4  }
0x13a: {  	[hbm4b:s7+s4] =	stream.linear.scatter [tilespmem:s14], [sflag:$0x1], $0x100, $0x38;
	[tilespmem:$0x10580] =	vst v63  }
0x13b: {  	_ =	swait.ge [sflag:s10], $0x100  }
0x13c: {  	[sflag:s10] =	ssyncset.done $0x0  }
0x13d: {  	[sflag:s10] =	ssyncadd.s32 $0xFFFFFF00  }
0x13e: {  	_ =	sfence.sel $0x180000  }
0x13f: {  	[bflag:$0x0] =	sbarrier.arrive $0xFFFF  }
0x140: {  	p0 =	sne.s32 s3, $0x0;
	_ =	strace $0x90000047  }
0x141: {  	s0 =	sadd.s32 @!p0 $0x100000, s2;
	[bflag:$0x2] =	sbarrier.arrive $0xFFFF  }
0x142: {  	[sflag:s0] =	ssyncadd.tile.s32 @!p0 $0x1;
	_ =	shalt  }
.Lfunc_end2:
_tile_overlayer_lowered:
.L_overlay_start_2:
0x143: {  	(tag) =	ssettag $0x2  }
0x144: {  	s0 =	rddreg [dreg:$0x0];
	s2 =	stileid.u32  }
0x145: {  	s1 =	rddreg [dreg:$0x1];
	p0 =	sne.s32 s2, $0x0  }
0x146: {  	s3 =	rddreg [dreg:$0x2];
	[bflag:$0x3] =	sbarrier.arrive $0xFFFF;
	s2 =	simm.s32 @!p0 $0x1C01  }
0x147: {  	[timem:s3], [sflag:s2] =	dma.local @!p0 [hbm:s0], s1  }
0x148: {  	s0 =	simm.s32 @!p0 $0x1  }
0x149: {  	_ =	swait.ge @!p0 [sflag:s0], s1  }
0x14a: {  	s1 =	ssub.s32 @!p0 $0x0, s1;
	[sflag:s0] =	ssyncset.done @!p0 $0x0  }
0x14b: {  	[sflag:s0] =	ssyncadd.s32 @!p0 s1  }
0x14c: {  	[bflag:$0x3] =	sbarrier.arrive $0xFFFF  }
0x14d: {  	_ =	shalt  }

</sc_bundles>
